<compile_context>
chip_gen: v7x
topology: tpu7x:2x2x1
jax: 0.10.2.dev20260603
libtpu: 0.0.44.dev20260713+nightly
codegen_flags: <defaults>
</compile_context>

<pallas_src>
import functools

import jax
import jax.numpy as jnp
from jax import lax
from jax.experimental import pallas as pl
from jax.experimental.pallas import tpu as pltpu
from jax.experimental.pallas import tpu_sc as plsc

_B = 4096
_D = 256
_K = 8192

_NC, _NS = 2, 16
_NW = _NC * _NS
_CHUNK = _B // _NW

_BB = 512
_KB = 512



_NPB = _K // _KB
_NAB = _B // _BB


def _pa_body(emb_ref, w_ref, b_ref, x1_ref, x2_ref,
             qcb_ref, idx1_ref, idx2_ref, qcb2_scr, cbsq_scr):
    i = pl.program_id(0)

    @pl.when(i < _NPB)
    def _proj_phase():
        mm = lax.dot_general(emb_ref[...], w_ref[...],
                             (((1,), (1,)), ((), ())),
                             preferred_element_type=jnp.float32)
        qcb = mm + b_ref[...]
        qcb_ref[...] = qcb
        qcb2_scr[pl.ds(i * _KB, _KB), :] = qcb + qcb
        cbsq_scr[:, pl.ds(i * _KB, _KB)] = (
            jnp.sum(qcb * qcb, axis=1).reshape(1, _KB))

    @pl.when(i >= _NPB)
    def _argmin_phase():
        qcb2 = qcb2_scr[...]
        cb_sq = cbsq_scr[...]
        for x_ref, idx_ref in ((x1_ref, idx1_ref), (x2_ref, idx2_ref)):
            x = x_ref[...]
            x_sq = jnp.sum(x * x, axis=1, keepdims=True)
            mm2 = lax.dot_general(x, qcb2, (((1,), (1,)), ((), ())),
                                  preferred_element_type=jnp.float32)
            dist = x_sq + cb_sq - mm2
            idx_ref[...] = jnp.argmin(dist, axis=1).astype(jnp.int32)


def _proj_argmin(emb, w, b2d, x1, x2):
    return pl.pallas_call(
        _pa_body,
        grid=(_NPB + _NAB,),
        in_specs=[
            pl.BlockSpec((_KB, _D), lambda i: (jnp.minimum(i, _NPB - 1), 0)),
            pl.BlockSpec((_D, _D), lambda i: (0, 0)),
            pl.BlockSpec((1, _D), lambda i: (0, 0)),
            pl.BlockSpec((_BB, _D), lambda i: (jnp.maximum(i - _NPB, 0), 0)),
            pl.BlockSpec((_BB, _D), lambda i: (jnp.maximum(i - _NPB, 0), 0)),
        ],
        out_specs=[
            pl.BlockSpec((_KB, _D), lambda i: (jnp.minimum(i, _NPB - 1), 0)),
            pl.BlockSpec((_BB,), lambda i: (jnp.maximum(i - _NPB, 0),)),
            pl.BlockSpec((_BB,), lambda i: (jnp.maximum(i - _NPB, 0),)),
        ],
        out_shape=[
            jax.ShapeDtypeStruct((_K, _D), jnp.float32),
            jax.ShapeDtypeStruct((_B,), jnp.int32),
            jax.ShapeDtypeStruct((_B,), jnp.int32),
        ],
        scratch_shapes=[
            pltpu.VMEM((_K, _D), jnp.float32),
            pltpu.VMEM((1, _K), jnp.float32),
        ],
    )(emb, w, b2d, x1, x2)



@functools.partial(
    pl.kernel,
    out_type=(
        jax.ShapeDtypeStruct((_B, _D), jnp.float32),
        jax.ShapeDtypeStruct((_B, _D), jnp.float32),
        jax.ShapeDtypeStruct((_NW, _K), jnp.float32),
        jax.ShapeDtypeStruct((_NW, _K), jnp.float32),
    ),
    mesh=plsc.VectorSubcoreMesh(core_axis_name="c", subcore_axis_name="s"),
    compiler_params=pltpu.CompilerParams(needs_layout_passes=False),
    scratch_types=[
        pltpu.VMEM((_CHUNK,), jnp.int32),
        pltpu.VMEM((_CHUNK,), jnp.int32),
        pltpu.VMEM((_CHUNK, _D), jnp.float32),
        pltpu.VMEM((_CHUNK, _D), jnp.float32),
        pltpu.VMEM((_K,), jnp.float32),
        pltpu.VMEM((_K,), jnp.float32),
        pltpu.SemaphoreType.DMA,
        pltpu.SemaphoreType.DMA,
    ],
)
def _sc_gather_count(qcb_hbm, idx1_hbm, idx2_hbm,
                     out1_hbm, out2_hbm, cnt1_hbm, cnt2_hbm,
                     idx1_v, idx2_v, rows1_v, rows2_v, cnt1_v, cnt2_v,
                     sem1, sem2):
    wid = lax.axis_index("s") * _NC + lax.axis_index("c")
    base = wid * _CHUNK
    ones = jnp.ones((16,), jnp.float32)
    zeros = jnp.zeros((16,), jnp.float32)

    pltpu.sync_copy(idx1_hbm.at[pl.ds(base, _CHUNK)], idx1_v)
    pltpu.sync_copy(idx2_hbm.at[pl.ds(base, _CHUNK)], idx2_v)
    g1 = pltpu.async_copy(qcb_hbm.at[idx1_v], rows1_v, sem1)
    g2 = pltpu.async_copy(qcb_hbm.at[idx2_v], rows2_v, sem2)

    def _zero(i, carry):
        for u in range(8):
            cnt1_v[pl.ds((i * 8 + u) * 16, 16)] = zeros
            cnt2_v[pl.ds((i * 8 + u) * 16, 16)] = zeros
        return carry
    lax.fori_loop(0, _K // 128, _zero, 0)

    for j in range(_CHUNK // 16):
        plsc.addupdate_scatter(cnt1_v, [idx1_v[pl.ds(j * 16, 16)]], ones)
        plsc.addupdate_scatter(cnt2_v, [idx2_v[pl.ds(j * 16, 16)]], ones)
    pltpu.sync_copy(cnt1_v, cnt1_hbm.at[wid])
    pltpu.sync_copy(cnt2_v, cnt2_hbm.at[wid])

    g1.wait()
    pltpu.sync_copy(rows1_v, out1_hbm.at[pl.ds(base, _CHUNK)])
    g2.wait()
    pltpu.sync_copy(rows2_v, out2_hbm.at[pl.ds(base, _CHUNK)])



def _final_body(x1_ref, x2_ref, q1_ref, q2_ref, cnt1_ref, cnt2_ref,
                out_ref, acc_ref):
    i = pl.program_id(0)
    nb = pl.num_programs(0)

    @pl.when(i == 0)
    def _init():
        for t in range(4):
            acc_ref[t] = jnp.float32(0.0)

    x1 = x1_ref[...]
    x2 = x2_ref[...]
    q1 = q1_ref[...]
    q2 = q2_ref[...]
    d1 = x1 - q1
    d2 = x2 - q2
    d3 = q2 - x1
    d4 = q1 - x2
    acc_ref[0] = acc_ref[0] + jnp.sum(d1 * d1)
    acc_ref[1] = acc_ref[1] + jnp.sum(d2 * d2)
    acc_ref[2] = acc_ref[2] + jnp.sum(d3 * d3)
    acc_ref[3] = acc_ref[3] + jnp.sum(d4 * d4)

    @pl.when(i == nb - 1)
    def _done():
        n = jnp.float32(_B * _D)
        m1 = acc_ref[0] / n
        m2 = acc_ref[1] / n
        m3 = acc_ref[2] / n
        m4 = acc_ref[3] / n
        scr_loss = jnp.float32(0.5) * m1
        fwd = m2 + m1 + jnp.float32(0.5) * m3 + jnp.float32(0.5) * m4
        ribo_loss = jnp.float32(0.5) * m2 + jnp.float32(0.25) * fwd

        c1 = jnp.sum(cnt1_ref[...], axis=0, keepdims=True)
        c2 = jnp.sum(cnt2_ref[...], axis=0, keepdims=True)
        binv = jnp.float32(1.0 / _B)
        p1 = c1 * binv
        p2 = c2 * binv
        eps = jnp.float32(1e-10)
        perp1 = jnp.exp(-jnp.sum(p1 * jnp.log(p1 + eps)))
        perp2 = jnp.exp(-jnp.sum(p2 * jnp.log(p2 + eps)))

        r_mask = c1 > 0.0
        b_mask = c2 > 0.0
        union = jnp.sum((r_mask | b_mask).astype(jnp.float32))
        inter = jnp.sum((r_mask & b_mask).astype(jnp.float32))
        r_cnt = jnp.sum(r_mask.astype(jnp.float32))
        b_cnt = jnp.sum(b_mask.astype(jnp.float32))
        kinv = jnp.float32(1.0 / _K)

        out_ref[0] = scr_loss
        out_ref[1] = ribo_loss
        out_ref[2] = perp1
        out_ref[3] = perp2
        out_ref[4] = union * kinv
        out_ref[5] = r_cnt * kinv
        out_ref[6] = b_cnt * kinv
        out_ref[7] = inter * kinv
        out_ref[8] = union * kinv
        out_ref[9] = union


_FB = 1024


def _finalize(x1, x2, q1, q2, cnt1, cnt2):
    nb = _B // _FB
    return pl.pallas_call(
        _final_body,
        grid=(nb,),
        in_specs=[
            pl.BlockSpec((_FB, _D), lambda i: (i, 0)),
            pl.BlockSpec((_FB, _D), lambda i: (i, 0)),
            pl.BlockSpec((_FB, _D), lambda i: (i, 0)),
            pl.BlockSpec((_FB, _D), lambda i: (i, 0)),
            pl.BlockSpec((_NW, _K), lambda i: (0, 0)),
            pl.BlockSpec((_NW, _K), lambda i: (0, 0)),
        ],
        out_specs=pl.BlockSpec(memory_space=pltpu.SMEM),
        out_shape=jax.ShapeDtypeStruct((16,), jnp.float32),
        scratch_shapes=[pltpu.SMEM((4,), jnp.float32)],
    )(x1, x2, q1, q2, cnt1, cnt2)



def kernel(scRNA_semantic, ribo_semantic, flag, embedding_weight, proj_W, proj_b):
    del flag
    qcb, idx1, idx2 = _proj_argmin(embedding_weight, proj_W,
                                   proj_b.reshape(1, _D),
                                   scRNA_semantic, ribo_semantic)
    q1, q2, cnt1, cnt2 = _sc_gather_count(qcb, idx1, idx2)
    s = _finalize(scRNA_semantic, ribo_semantic, q1, q2, cnt1, cnt2)
    return (q1, q2, s[0], s[1], s[2], s[3], s[4:10])

# --- scband reference (transcript-rebuilt; emitter-appended) ---
"""Pipeline reference for scband-ra-vqvae-encoder-2937757630647 (READ-ONLY COPY).

The authoritative reference and input builder live on the scoring server;
editing this copy changes nothing except your own understanding.
"""

import jax, jax.numpy as jnp
import numpy as np

B, D, K = 4096, 256, 8192
COMMIT = 0.25

def setup_inputs(seed: int = 0) -> dict:
    key = jax.random.key(seed)
    k1, k2, k3, k4 = jax.random.split(key, 4)
    scRNA = jax.random.normal(k1, (B, D), dtype=jnp.float32)
    ribo = jax.random.normal(k2, (B, D), dtype=jnp.float32)
    emb = jax.random.normal(k3, (K, D), dtype=jnp.float32) * (D ** -0.5)
    # nn.Linear(D, D): weight [out, in], bias [out]
    proj_W = jax.random.normal(k4, (D, D), dtype=jnp.float32) * (D ** -0.5)
    proj_b = jnp.zeros((D,), dtype=jnp.float32)
    return {"scRNA_semantic": scRNA, "ribo_semantic": ribo, "flag": 0,
            "embedding_weight": emb, "proj_W": proj_W, "proj_b": proj_b}

def _mse(a, b):
    return jnp.mean((a - b) ** 2)

def reference(scRNA_semantic, ribo_semantic, flag, embedding_weight, proj_W, proj_b):
    num_embeddings = embedding_weight.shape[0]
    scR_flat = jax.lax.stop_gradient(scRNA_semantic)
    scRibo_flat = jax.lax.stop_gradient(ribo_semantic)
    # embedding_proj applied to the (frozen) codebook
    quant_codebook = embedding_weight @ proj_W.T + proj_b
    cb_sq = jnp.sum(quant_codebook ** 2, axis=1)
    scR_distances = jnp.sum(scR_flat ** 2, axis=1, keepdims=True) + cb_sq - 2.0 * (scR_flat @ quant_codebook.T)
    scRibo_distances = jnp.sum(scRibo_flat ** 2, axis=1, keepdims=True) + cb_sq - 2.0 * (scRibo_flat @ quant_codebook.T)
    scRNA_indices = jnp.argmin(scR_distances, axis=1)
    ribo_indices = jnp.argmin(scRibo_distances, axis=1)
    scRNA_encodings = jax.nn.one_hot(scRNA_indices, num_embeddings, dtype=jnp.float32)
    ribo_encodings = jax.nn.one_hot(ribo_indices, num_embeddings, dtype=jnp.float32)
    scRNA_quantized = (scRNA_encodings @ quant_codebook).reshape(scRNA_semantic.shape)
    ribo_quantized = (ribo_encodings @ quant_codebook).reshape(ribo_semantic.shape)
    # usage-buffer updates (buffers start at zero -> one-batch stats)
    rna_mask = jnp.zeros((num_embeddings,), dtype=jnp.bool_).at[scRNA_indices].set(True)
    ribo_mask = jnp.zeros((num_embeddings,), dtype=jnp.bool_).at[ribo_indices].set(True)
    union_mask = rna_mask | ribo_mask
    # losses
    scRNA_e_latent_loss = _mse(scRNA_semantic, jax.lax.stop_gradient(scRNA_quantized))
    scRNA_loss = 2.0 * COMMIT * scRNA_e_latent_loss
    ribo_scRNA_vq_forward_loss = (_mse(ribo_quantized, jax.lax.stop_gradient(ribo_semantic))
                                  + _mse(scRNA_quantized, jax.lax.stop_gradient(scRNA_semantic))
                                  + 0.5 * _mse(ribo_quantized, jax.lax.stop_gradient(scRNA_semantic))
                                  + 0.5 * _mse(scRNA_quantized, jax.lax.stop_gradient(ribo_semantic)))
    ribo_e_latent_loss = _mse(ribo_semantic, jax.lax.stop_gradient(ribo_quantized))
    ribo_loss = 2.0 * COMMIT * ribo_e_latent_loss + COMMIT * ribo_scRNA_vq_forward_loss
    # straight-through estimator
    scRNA_quantized_st = scRNA_semantic + jax.lax.stop_gradient(scRNA_quantized - scRNA_semantic)
    ribo_quantized_st = ribo_semantic + jax.lax.stop_gradient(ribo_quantized - ribo_semantic)
    scRNA_avg_probs = jnp.mean(scRNA_encodings, axis=0)
    scRNA_perplexity = jnp.exp(-jnp.sum(scRNA_avg_probs * jnp.log(scRNA_avg_probs + 1e-10)))
    ribo_avg_probs = jnp.mean(ribo_encodings, axis=0)
    ribo_perplexity = jnp.exp(-jnp.sum(ribo_avg_probs * jnp.log(ribo_avg_probs + 1e-10)))
    # batch stats (buffers were zero before this batch, so usage == masks)
    nE = jnp.float32(num_embeddings)
    global_util = jnp.sum(union_mask.astype(jnp.float32)) / nE
    rna_util = jnp.sum(rna_mask.astype(jnp.float32)) / nE
    ribo_util = jnp.sum(ribo_mask.astype(jnp.float32)) / nE
    cross_util = jnp.sum((rna_mask & ribo_mask).astype(jnp.float32)) / nE
    batch_util = jnp.sum(union_mask.astype(jnp.float32)) / nE  # unique(cat(idx)) / K
    active_codes = jnp.sum(union_mask.astype(jnp.float32))
    batch_stats = jnp.stack([global_util, rna_util, ribo_util, cross_util, batch_util, active_codes])
    return (scRNA_quantized_st, ribo_quantized_st, scRNA_loss, ribo_loss,
            scRNA_perplexity, ribo_perplexity, batch_stats)

if False:  # reference __main__ guard neutralized (emitter)
    out = reference(**setup_inputs())
    print([getattr(o, 'shape', None) for o in out])

if __name__ == "__main__":
    import jax
    _d = setup_inputs()
    print(jax.jit(kernel)(*tuple(_d.values())))

</pallas_src>

<mosaic_0001>
#map = affine_map<(d0, d1) -> (0, 0)>
#map1 = affine_map<(d0, d1) -> (0)>
module attributes {stable_mosaic.version = 14 : i64} {
  func.func @_sc_gather_count(%arg0: i32, %arg1: i32, %arg2: memref<8192x256xf32, #tpu.memory_space<hbm>>, %arg3: memref<4096xi32, #tpu.memory_space<hbm>>, %arg4: memref<4096xi32, #tpu.memory_space<hbm>>, %arg5: memref<4096x256xf32, #tpu.memory_space<hbm>>, %arg6: memref<4096x256xf32, #tpu.memory_space<hbm>>, %arg7: memref<32x8192xf32, #tpu.memory_space<hbm>>, %arg8: memref<32x8192xf32, #tpu.memory_space<hbm>>, %arg9: memref<128xi32, #tpu.memory_space<vmem>>, %arg10: memref<128xi32, #tpu.memory_space<vmem>>, %arg11: memref<128x256xf32, #tpu.memory_space<vmem>>, %arg12: memref<128x256xf32, #tpu.memory_space<vmem>>, %arg13: memref<8192xf32, #tpu.memory_space<vmem>>, %arg14: memref<8192xf32, #tpu.memory_space<vmem>>, %arg15: memref<!tpu.dma_semaphore, #tpu.memory_space<semaphore_mem>>, %arg16: memref<!tpu.dma_semaphore, #tpu.memory_space<semaphore_mem>>) attributes {dimension_semantics = [#tpu.dimension_semantics<core_parallel>, #tpu.dimension_semantics<subcore_parallel>], iteration_bounds = array<i64: 2, 16>, scalar_prefetch = 0 : i64, scratch_operands = 8 : i64, tpu.core_type = #tpu.core_type<sc_vector_subcore>, window_params = [{transform_indices = #map}, {transform_indices = #map1}, {transform_indices = #map1}, {transform_indices = #map}, {transform_indices = #map}, {transform_indices = #map}, {transform_indices = #map}]} {
    %mul3A = arith.constant 2 : i32
    %mul3A_0 = arith.muli %arg1, %mul3A : i32
    %add3A = arith.addi %mul3A_0, %arg0 : i32
    %mul3A_1 = arith.constant 128 : i32
    %mul3A_2 = arith.muli %add3A, %mul3A_1 : i32
    %broadcast_in_dim3A = arith.constant 1.000000e+00 : f32
    %broadcast_in_dim3A_3 = vector.broadcast %broadcast_in_dim3A : f32 to vector<16xf32>
    %broadcast_in_dim3A_4 = arith.constant 0.000000e+00 : f32
    %broadcast_in_dim3A_5 = vector.broadcast %broadcast_in_dim3A_4 : f32 to vector<16xf32>
    "tpu.region"() ({
      %run_scoped3A = tpu.sem_alloc : memref<!tpu.dma_semaphore, #tpu.memory_space<semaphore_mem>>
      %dma_start3A_52 = tpu.memref_slice %arg3[%mul3A_2] : memref<4096xi32, #tpu.memory_space<hbm>> -> memref<128xi32, #tpu.memory_space<hbm>>
      %dma_start3A_53 = tpu.memref_slice %arg3[%mul3A_2] : memref<4096xi32, #tpu.memory_space<hbm>> -> memref<128xi32, #tpu.memory_space<hbm>>
      tpu.enqueue_dma source(%dma_start3A_53 : memref<128xi32, #tpu.memory_space<hbm>>) target(%arg9 : memref<128xi32, #tpu.memory_space<vmem>>) target_semaphore(%run_scoped3A : memref<!tpu.dma_semaphore, #tpu.memory_space<semaphore_mem>>)
      %dma_wait3A_54 = tpu.memref_slice %arg3[%mul3A_2] : memref<4096xi32, #tpu.memory_space<hbm>> -> memref<128xi32, #tpu.memory_space<hbm>>
      %dma_wait3A_55 = tpu.memref_slice %arg3[%mul3A_2] : memref<4096xi32, #tpu.memory_space<hbm>> -> memref<128xi32, #tpu.memory_space<hbm>>
      tpu.wait_dma2 semaphore(%run_scoped3A : memref<!tpu.dma_semaphore, #tpu.memory_space<semaphore_mem>>) src(%dma_wait3A_55 : memref<128xi32, #tpu.memory_space<hbm>>) dst(%arg9 : memref<128xi32, #tpu.memory_space<vmem>>)
      tpu.yield
    }) : () -> ()
    "tpu.region"() ({
      %run_scoped3A = tpu.sem_alloc : memref<!tpu.dma_semaphore, #tpu.memory_space<semaphore_mem>>
      %dma_start3A_52 = tpu.memref_slice %arg4[%mul3A_2] : memref<4096xi32, #tpu.memory_space<hbm>> -> memref<128xi32, #tpu.memory_space<hbm>>
      %dma_start3A_53 = tpu.memref_slice %arg4[%mul3A_2] : memref<4096xi32, #tpu.memory_space<hbm>> -> memref<128xi32, #tpu.memory_space<hbm>>
      tpu.enqueue_dma source(%dma_start3A_53 : memref<128xi32, #tpu.memory_space<hbm>>) target(%arg10 : memref<128xi32, #tpu.memory_space<vmem>>) target_semaphore(%run_scoped3A : memref<!tpu.dma_semaphore, #tpu.memory_space<semaphore_mem>>)
      %dma_wait3A_54 = tpu.memref_slice %arg4[%mul3A_2] : memref<4096xi32, #tpu.memory_space<hbm>> -> memref<128xi32, #tpu.memory_space<hbm>>
      %dma_wait3A_55 = tpu.memref_slice %arg4[%mul3A_2] : memref<4096xi32, #tpu.memory_space<hbm>> -> memref<128xi32, #tpu.memory_space<hbm>>
      tpu.wait_dma2 semaphore(%run_scoped3A : memref<!tpu.dma_semaphore, #tpu.memory_space<semaphore_mem>>) src(%dma_wait3A_55 : memref<128xi32, #tpu.memory_space<hbm>>) dst(%arg10 : memref<128xi32, #tpu.memory_space<vmem>>)
      tpu.yield
    }) : () -> ()
    %dma_start3A = arith.constant 0 : i32
    %dma_start3A_6 = arith.constant 0 : i32
    %dma_start3A_7 = tpu.memref_slice %arg2[%dma_start3A, %dma_start3A_6] : memref<8192x256xf32, #tpu.memory_space<hbm>> -> memref<8192x256xf32, #tpu.memory_space<hbm>>
    tpu.enqueue_indirect_dma source(%dma_start3A_7 : memref<8192x256xf32, #tpu.memory_space<hbm>>) target(%arg11 : memref<128x256xf32, #tpu.memory_space<vmem>>) offsets(%arg9 : memref<128xi32, #tpu.memory_space<vmem>>) semaphore(%arg15 : memref<!tpu.dma_semaphore, #tpu.memory_space<semaphore_mem>>)
    %dma_start3A_8 = arith.constant 0 : i32
    %dma_start3A_9 = arith.constant 0 : i32
    %dma_start3A_10 = tpu.memref_slice %arg2[%dma_start3A_8, %dma_start3A_9] : memref<8192x256xf32, #tpu.memory_space<hbm>> -> memref<8192x256xf32, #tpu.memory_space<hbm>>
    tpu.enqueue_indirect_dma source(%dma_start3A_10 : memref<8192x256xf32, #tpu.memory_space<hbm>>) target(%arg12 : memref<128x256xf32, #tpu.memory_space<vmem>>) offsets(%arg10 : memref<128xi32, #tpu.memory_space<vmem>>) semaphore(%arg16 : memref<!tpu.dma_semaphore, #tpu.memory_space<semaphore_mem>>)
    %scan3A = arith.constant 0 : i32
    %scan3A_11 = arith.constant 0 : i32
    %scan3A_12 = arith.constant 64 : i32
    %scan3A_13 = arith.addi %scan3A_11, %scan3A_12 : i32
    %scan3A_14 = arith.constant 1 : i32
    scf.for %scan3A_52 = %scan3A_11 to %scan3A_13 step %scan3A_14  : i32 {
      %mul3A_53 = arith.constant 8 : i32
      %mul3A_54 = arith.muli %scan3A_52, %mul3A_53 : i32
      %add3A_55 = arith.constant 0 : i32
      %add3A_56 = arith.addi %mul3A_54, %add3A_55 : i32
      %mul3A_57 = arith.constant 16 : i32
      %mul3A_58 = arith.muli %add3A_56, %mul3A_57 : i32
      %swap3A = arith.index_cast %mul3A_58 : i32 to index
      %swap3A_59 = tpu.vector_load %arg13[%swap3A] {strides = array<i32>} : memref<8192xf32, #tpu.memory_space<vmem>>, vector<16xf32>,
      tpu.vector_store %arg13[%swap3A], %broadcast_in_dim3A_5 {strides = array<i32>} : memref<8192xf32, #tpu.memory_space<vmem>>, vector<16xf32>,
      %mul3A_60 = arith.constant 8 : i32
      %mul3A_61 = arith.muli %scan3A_52, %mul3A_60 : i32
      %add3A_62 = arith.constant 0 : i32
      %add3A_63 = arith.addi %mul3A_61, %add3A_62 : i32
      %mul3A_64 = arith.constant 16 : i32
      %mul3A_65 = arith.muli %add3A_63, %mul3A_64 : i32
      %swap3A_66 = arith.index_cast %mul3A_65 : i32 to index
      %swap3A_67 = tpu.vector_load %arg14[%swap3A_66] {strides = array<i32>} : memref<8192xf32, #tpu.memory_space<vmem>>, vector<16xf32>,
      tpu.vector_store %arg14[%swap3A_66], %broadcast_in_dim3A_5 {strides = array<i32>} : memref<8192xf32, #tpu.memory_space<vmem>>, vector<16xf32>,
      %mul3A_68 = arith.constant 8 : i32
      %mul3A_69 = arith.muli %scan3A_52, %mul3A_68 : i32
      %add3A_70 = arith.constant 1 : i32
      %add3A_71 = arith.addi %mul3A_69, %add3A_70 : i32
      %mul3A_72 = arith.constant 16 : i32
      %mul3A_73 = arith.muli %add3A_71, %mul3A_72 : i32
      %swap3A_74 = arith.index_cast %mul3A_73 : i32 to index
      %swap3A_75 = tpu.vector_load %arg13[%swap3A_74] {strides = array<i32>} : memref<8192xf32, #tpu.memory_space<vmem>>, vector<16xf32>,
      tpu.vector_store %arg13[%swap3A_74], %broadcast_in_dim3A_5 {strides = array<i32>} : memref<8192xf32, #tpu.memory_space<vmem>>, vector<16xf32>,
      %mul3A_76 = arith.constant 8 : i32
      %mul3A_77 = arith.muli %scan3A_52, %mul3A_76 : i32
      %add3A_78 = arith.constant 1 : i32
      %add3A_79 = arith.addi %mul3A_77, %add3A_78 : i32
      %mul3A_80 = arith.constant 16 : i32
      %mul3A_81 = arith.muli %add3A_79, %mul3A_80 : i32
      %swap3A_82 = arith.index_cast %mul3A_81 : i32 to index
      %swap3A_83 = tpu.vector_load %arg14[%swap3A_82] {strides = array<i32>} : memref<8192xf32, #tpu.memory_space<vmem>>, vector<16xf32>,
      tpu.vector_store %arg14[%swap3A_82], %broadcast_in_dim3A_5 {strides = array<i32>} : memref<8192xf32, #tpu.memory_space<vmem>>, vector<16xf32>,
      %mul3A_84 = arith.constant 8 : i32
      %mul3A_85 = arith.muli %scan3A_52, %mul3A_84 : i32
      %add3A_86 = arith.constant 2 : i32
      %add3A_87 = arith.addi %mul3A_85, %add3A_86 : i32
      %mul3A_88 = arith.constant 16 : i32
      %mul3A_89 = arith.muli %add3A_87, %mul3A_88 : i32
      %swap3A_90 = arith.index_cast %mul3A_89 : i32 to index
      %swap3A_91 = tpu.vector_load %arg13[%swap3A_90] {strides = array<i32>} : memref<8192xf32, #tpu.memory_space<vmem>>, vector<16xf32>,
      tpu.vector_store %arg13[%swap3A_90], %broadcast_in_dim3A_5 {strides = array<i32>} : memref<8192xf32, #tpu.memory_space<vmem>>, vector<16xf32>,
      %mul3A_92 = arith.constant 8 : i32
      %mul3A_93 = arith.muli %scan3A_52, %mul3A_92 : i32
      %add3A_94 = arith.constant 2 : i32
      %add3A_95 = arith.addi %mul3A_93, %add3A_94 : i32
      %mul3A_96 = arith.constant 16 : i32
      %mul3A_97 = arith.muli %add3A_95, %mul3A_96 : i32
      %swap3A_98 = arith.index_cast %mul3A_97 : i32 to index
      %swap3A_99 = tpu.vector_load %arg14[%swap3A_98] {strides = array<i32>} : memref<8192xf32, #tpu.memory_space<vmem>>, vector<16xf32>,
      tpu.vector_store %arg14[%swap3A_98], %broadcast_in_dim3A_5 {strides = array<i32>} : memref<8192xf32, #tpu.memory_space<vmem>>, vector<16xf32>,
      %mul3A_100 = arith.constant 8 : i32
      %mul3A_101 = arith.muli %scan3A_52, %mul3A_100 : i32
      %add3A_102 = arith.constant 3 : i32
      %add3A_103 = arith.addi %mul3A_101, %add3A_102 : i32
      %mul3A_104 = arith.constant 16 : i32
      %mul3A_105 = arith.muli %add3A_103, %mul3A_104 : i32
      %swap3A_106 = arith.index_cast %mul3A_105 : i32 to index
      %swap3A_107 = tpu.vector_load %arg13[%swap3A_106] {strides = array<i32>} : memref<8192xf32, #tpu.memory_space<vmem>>, vector<16xf32>,
      tpu.vector_store %arg13[%swap3A_106], %broadcast_in_dim3A_5 {strides = array<i32>} : memref<8192xf32, #tpu.memory_space<vmem>>, vector<16xf32>,
      %mul3A_108 = arith.constant 8 : i32
      %mul3A_109 = arith.muli %scan3A_52, %mul3A_108 : i32
      %add3A_110 = arith.constant 3 : i32
      %add3A_111 = arith.addi %mul3A_109, %add3A_110 : i32
      %mul3A_112 = arith.constant 16 : i32
      %mul3A_113 = arith.muli %add3A_111, %mul3A_112 : i32
      %swap3A_114 = arith.index_cast %mul3A_113 : i32 to index
      %swap3A_115 = tpu.vector_load %arg14[%swap3A_114] {strides = array<i32>} : memref<8192xf32, #tpu.memory_space<vmem>>, vector<16xf32>,
      tpu.vector_store %arg14[%swap3A_114], %broadcast_in_dim3A_5 {strides = array<i32>} : memref<8192xf32, #tpu.memory_space<vmem>>, vector<16xf32>,
      %mul3A_116 = arith.constant 8 : i32
      %mul3A_117 = arith.muli %scan3A_52, %mul3A_116 : i32
      %add3A_118 = arith.constant 4 : i32
      %add3A_119 = arith.addi %mul3A_117, %add3A_118 : i32
      %mul3A_120 = arith.constant 16 : i32
      %mul3A_121 = arith.muli %add3A_119, %mul3A_120 : i32
      %swap3A_122 = arith.index_cast %mul3A_121 : i32 to index
      %swap3A_123 = tpu.vector_load %arg13[%swap3A_122] {strides = array<i32>} : memref<8192xf32, #tpu.memory_space<vmem>>, vector<16xf32>,
      tpu.vector_store %arg13[%swap3A_122], %broadcast_in_dim3A_5 {strides = array<i32>} : memref<8192xf32, #tpu.memory_space<vmem>>, vector<16xf32>,
      %mul3A_124 = arith.constant 8 : i32
      %mul3A_125 = arith.muli %scan3A_52, %mul3A_124 : i32
      %add3A_126 = arith.constant 4 : i32
      %add3A_127 = arith.addi %mul3A_125, %add3A_126 : i32
      %mul3A_128 = arith.constant 16 : i32
      %mul3A_129 = arith.muli %add3A_127, %mul3A_128 : i32
      %swap3A_130 = arith.index_cast %mul3A_129 : i32 to index
      %swap3A_131 = tpu.vector_load %arg14[%swap3A_130] {strides = array<i32>} : memref<8192xf32, #tpu.memory_space<vmem>>, vector<16xf32>,
      tpu.vector_store %arg14[%swap3A_130], %broadcast_in_dim3A_5 {strides = array<i32>} : memref<8192xf32, #tpu.memory_space<vmem>>, vector<16xf32>,
      %mul3A_132 = arith.constant 8 : i32
      %mul3A_133 = arith.muli %scan3A_52, %mul3A_132 : i32
      %add3A_134 = arith.constant 5 : i32
      %add3A_135 = arith.addi %mul3A_133, %add3A_134 : i32
      %mul3A_136 = arith.constant 16 : i32
      %mul3A_137 = arith.muli %add3A_135, %mul3A_136 : i32
      %swap3A_138 = arith.index_cast %mul3A_137 : i32 to index
      %swap3A_139 = tpu.vector_load %arg13[%swap3A_138] {strides = array<i32>} : memref<8192xf32, #tpu.memory_space<vmem>>, vector<16xf32>,
      tpu.vector_store %arg13[%swap3A_138], %broadcast_in_dim3A_5 {strides = array<i32>} : memref<8192xf32, #tpu.memory_space<vmem>>, vector<16xf32>,
      %mul3A_140 = arith.constant 8 : i32
      %mul3A_141 = arith.muli %scan3A_52, %mul3A_140 : i32
      %add3A_142 = arith.constant 5 : i32
      %add3A_143 = arith.addi %mul3A_141, %add3A_142 : i32
      %mul3A_144 = arith.constant 16 : i32
      %mul3A_145 = arith.muli %add3A_143, %mul3A_144 : i32
      %swap3A_146 = arith.index_cast %mul3A_145 : i32 to index
      %swap3A_147 = tpu.vector_load %arg14[%swap3A_146] {strides = array<i32>} : memref<8192xf32, #tpu.memory_space<vmem>>, vector<16xf32>,
      tpu.vector_store %arg14[%swap3A_146], %broadcast_in_dim3A_5 {strides = array<i32>} : memref<8192xf32, #tpu.memory_space<vmem>>, vector<16xf32>,
      %mul3A_148 = arith.constant 8 : i32
      %mul3A_149 = arith.muli %scan3A_52, %mul3A_148 : i32
      %add3A_150 = arith.constant 6 : i32
      %add3A_151 = arith.addi %mul3A_149, %add3A_150 : i32
      %mul3A_152 = arith.constant 16 : i32
      %mul3A_153 = arith.muli %add3A_151, %mul3A_152 : i32
      %swap3A_154 = arith.index_cast %mul3A_153 : i32 to index
      %swap3A_155 = tpu.vector_load %arg13[%swap3A_154] {strides = array<i32>} : memref<8192xf32, #tpu.memory_space<vmem>>, vector<16xf32>,
      tpu.vector_store %arg13[%swap3A_154], %broadcast_in_dim3A_5 {strides = array<i32>} : memref<8192xf32, #tpu.memory_space<vmem>>, vector<16xf32>,
      %mul3A_156 = arith.constant 8 : i32
      %mul3A_157 = arith.muli %scan3A_52, %mul3A_156 : i32
      %add3A_158 = arith.constant 6 : i32
      %add3A_159 = arith.addi %mul3A_157, %add3A_158 : i32
      %mul3A_160 = arith.constant 16 : i32
      %mul3A_161 = arith.muli %add3A_159, %mul3A_160 : i32
      %swap3A_162 = arith.index_cast %mul3A_161 : i32 to index
      %swap3A_163 = tpu.vector_load %arg14[%swap3A_162] {strides = array<i32>} : memref<8192xf32, #tpu.memory_space<vmem>>, vector<16xf32>,
      tpu.vector_store %arg14[%swap3A_162], %broadcast_in_dim3A_5 {strides = array<i32>} : memref<8192xf32, #tpu.memory_space<vmem>>, vector<16xf32>,
      %mul3A_164 = arith.constant 8 : i32
      %mul3A_165 = arith.muli %scan3A_52, %mul3A_164 : i32
      %add3A_166 = arith.constant 7 : i32
      %add3A_167 = arith.addi %mul3A_165, %add3A_166 : i32
      %mul3A_168 = arith.constant 16 : i32
      %mul3A_169 = arith.muli %add3A_167, %mul3A_168 : i32
      %swap3A_170 = arith.index_cast %mul3A_169 : i32 to index
      %swap3A_171 = tpu.vector_load %arg13[%swap3A_170] {strides = array<i32>} : memref<8192xf32, #tpu.memory_space<vmem>>, vector<16xf32>,
      tpu.vector_store %arg13[%swap3A_170], %broadcast_in_dim3A_5 {strides = array<i32>} : memref<8192xf32, #tpu.memory_space<vmem>>, vector<16xf32>,
      %mul3A_172 = arith.constant 8 : i32
      %mul3A_173 = arith.muli %scan3A_52, %mul3A_172 : i32
      %add3A_174 = arith.constant 7 : i32
      %add3A_175 = arith.addi %mul3A_173, %add3A_174 : i32
      %mul3A_176 = arith.constant 16 : i32
      %mul3A_177 = arith.muli %add3A_175, %mul3A_176 : i32
      %swap3A_178 = arith.index_cast %mul3A_177 : i32 to index
      %swap3A_179 = tpu.vector_load %arg14[%swap3A_178] {strides = array<i32>} : memref<8192xf32, #tpu.memory_space<vmem>>, vector<16xf32>,
      tpu.vector_store %arg14[%swap3A_178], %broadcast_in_dim3A_5 {strides = array<i32>} : memref<8192xf32, #tpu.memory_space<vmem>>, vector<16xf32>,
    }
    %scan3A_15 = arith.constant 64 : i32
    %get3A = arith.constant 0 : index
    %get3A_16 = tpu.vector_load %arg9[%get3A] {strides = array<i32>} : memref<128xi32, #tpu.memory_space<vmem>>, vector<16xi32>,
    tpu.vector_store_idx %arg13[%get3A_16], %broadcast_in_dim3A_3 {add = true} : memref<8192xf32, #tpu.memory_space<vmem>>[vector<16xi32>], vector<16xf32>,
    %get3A_17 = arith.constant 0 : index
    %get3A_18 = tpu.vector_load %arg10[%get3A_17] {strides = array<i32>} : memref<128xi32, #tpu.memory_space<vmem>>, vector<16xi32>,
    tpu.vector_store_idx %arg14[%get3A_18], %broadcast_in_dim3A_3 {add = true} : memref<8192xf32, #tpu.memory_space<vmem>>[vector<16xi32>], vector<16xf32>,
    %get3A_19 = arith.constant 16 : index
    %get3A_20 = tpu.vector_load %arg9[%get3A_19] {strides = array<i32>} : memref<128xi32, #tpu.memory_space<vmem>>, vector<16xi32>,
    tpu.vector_store_idx %arg13[%get3A_20], %broadcast_in_dim3A_3 {add = true} : memref<8192xf32, #tpu.memory_space<vmem>>[vector<16xi32>], vector<16xf32>,
    %get3A_21 = arith.constant 16 : index
    %get3A_22 = tpu.vector_load %arg10[%get3A_21] {strides = array<i32>} : memref<128xi32, #tpu.memory_space<vmem>>, vector<16xi32>,
    tpu.vector_store_idx %arg14[%get3A_22], %broadcast_in_dim3A_3 {add = true} : memref<8192xf32, #tpu.memory_space<vmem>>[vector<16xi32>], vector<16xf32>,
    %get3A_23 = arith.constant 32 : index
    %get3A_24 = tpu.vector_load %arg9[%get3A_23] {strides = array<i32>} : memref<128xi32, #tpu.memory_space<vmem>>, vector<16xi32>,
    tpu.vector_store_idx %arg13[%get3A_24], %broadcast_in_dim3A_3 {add = true} : memref<8192xf32, #tpu.memory_space<vmem>>[vector<16xi32>], vector<16xf32>,
    %get3A_25 = arith.constant 32 : index
    %get3A_26 = tpu.vector_load %arg10[%get3A_25] {strides = array<i32>} : memref<128xi32, #tpu.memory_space<vmem>>, vector<16xi32>,
    tpu.vector_store_idx %arg14[%get3A_26], %broadcast_in_dim3A_3 {add = true} : memref<8192xf32, #tpu.memory_space<vmem>>[vector<16xi32>], vector<16xf32>,
    %get3A_27 = arith.constant 48 : index
    %get3A_28 = tpu.vector_load %arg9[%get3A_27] {strides = array<i32>} : memref<128xi32, #tpu.memory_space<vmem>>, vector<16xi32>,
    tpu.vector_store_idx %arg13[%get3A_28], %broadcast_in_dim3A_3 {add = true} : memref<8192xf32, #tpu.memory_space<vmem>>[vector<16xi32>], vector<16xf32>,
    %get3A_29 = arith.constant 48 : index
    %get3A_30 = tpu.vector_load %arg10[%get3A_29] {strides = array<i32>} : memref<128xi32, #tpu.memory_space<vmem>>, vector<16xi32>,
    tpu.vector_store_idx %arg14[%get3A_30], %broadcast_in_dim3A_3 {add = true} : memref<8192xf32, #tpu.memory_space<vmem>>[vector<16xi32>], vector<16xf32>,
    %get3A_31 = arith.constant 64 : index
    %get3A_32 = tpu.vector_load %arg9[%get3A_31] {strides = array<i32>} : memref<128xi32, #tpu.memory_space<vmem>>, vector<16xi32>,
    tpu.vector_store_idx %arg13[%get3A_32], %broadcast_in_dim3A_3 {add = true} : memref<8192xf32, #tpu.memory_space<vmem>>[vector<16xi32>], vector<16xf32>,
    %get3A_33 = arith.constant 64 : index
    %get3A_34 = tpu.vector_load %arg10[%get3A_33] {strides = array<i32>} : memref<128xi32, #tpu.memory_space<vmem>>, vector<16xi32>,
    tpu.vector_store_idx %arg14[%get3A_34], %broadcast_in_dim3A_3 {add = true} : memref<8192xf32, #tpu.memory_space<vmem>>[vector<16xi32>], vector<16xf32>,
    %get3A_35 = arith.constant 80 : index
    %get3A_36 = tpu.vector_load %arg9[%get3A_35] {strides = array<i32>} : memref<128xi32, #tpu.memory_space<vmem>>, vector<16xi32>,
    tpu.vector_store_idx %arg13[%get3A_36], %broadcast_in_dim3A_3 {add = true} : memref<8192xf32, #tpu.memory_space<vmem>>[vector<16xi32>], vector<16xf32>,
    %get3A_37 = arith.constant 80 : index
    %get3A_38 = tpu.vector_load %arg10[%get3A_37] {strides = array<i32>} : memref<128xi32, #tpu.memory_space<vmem>>, vector<16xi32>,
    tpu.vector_store_idx %arg14[%get3A_38], %broadcast_in_dim3A_3 {add = true} : memref<8192xf32, #tpu.memory_space<vmem>>[vector<16xi32>], vector<16xf32>,
    %get3A_39 = arith.constant 96 : index
    %get3A_40 = tpu.vector_load %arg9[%get3A_39] {strides = array<i32>} : memref<128xi32, #tpu.memory_space<vmem>>, vector<16xi32>,
    tpu.vector_store_idx %arg13[%get3A_40], %broadcast_in_dim3A_3 {add = true} : memref<8192xf32, #tpu.memory_space<vmem>>[vector<16xi32>], vector<16xf32>,
    %get3A_41 = arith.constant 96 : index
    %get3A_42 = tpu.vector_load %arg10[%get3A_41] {strides = array<i32>} : memref<128xi32, #tpu.memory_space<vmem>>, vector<16xi32>,
    tpu.vector_store_idx %arg14[%get3A_42], %broadcast_in_dim3A_3 {add = true} : memref<8192xf32, #tpu.memory_space<vmem>>[vector<16xi32>], vector<16xf32>,
    %get3A_43 = arith.constant 112 : index
    %get3A_44 = tpu.vector_load %arg9[%get3A_43] {strides = array<i32>} : memref<128xi32, #tpu.memory_space<vmem>>, vector<16xi32>,
    tpu.vector_store_idx %arg13[%get3A_44], %broadcast_in_dim3A_3 {add = true} : memref<8192xf32, #tpu.memory_space<vmem>>[vector<16xi32>], vector<16xf32>,
    %get3A_45 = arith.constant 112 : index
    %get3A_46 = tpu.vector_load %arg10[%get3A_45] {strides = array<i32>} : memref<128xi32, #tpu.memory_space<vmem>>, vector<16xi32>,
    tpu.vector_store_idx %arg14[%get3A_46], %broadcast_in_dim3A_3 {add = true} : memref<8192xf32, #tpu.memory_space<vmem>>[vector<16xi32>], vector<16xf32>,
    "tpu.region"() ({
      %run_scoped3A = tpu.sem_alloc : memref<!tpu.dma_semaphore, #tpu.memory_space<semaphore_mem>>
      %dma_start3A_52 = arith.constant 0 : i32
      %dma_start3A_53 = tpu.memref_slice %arg7[%add3A, %dma_start3A_52] : memref<32x8192xf32, #tpu.memory_space<hbm>> -> memref<1x8192xf32, #tpu.memory_space<hbm>>
      %dma_start3A_54 = tpu.memref_squeeze %dma_start3A_53 : memref<1x8192xf32, #tpu.memory_space<hbm>> -> memref<8192xf32, #tpu.memory_space<hbm>>
      %dma_start3A_55 = arith.constant 0 : i32
      %dma_start3A_56 = tpu.memref_slice %arg7[%add3A, %dma_start3A_55] : memref<32x8192xf32, #tpu.memory_space<hbm>> -> memref<1x8192xf32, #tpu.memory_space<hbm>>
      %dma_start3A_57 = tpu.memref_squeeze %dma_start3A_56 : memref<1x8192xf32, #tpu.memory_space<hbm>> -> memref<8192xf32, #tpu.memory_space<hbm>>
      tpu.enqueue_dma source(%arg13 : memref<8192xf32, #tpu.memory_space<vmem>>) target(%dma_start3A_57 : memref<8192xf32, #tpu.memory_space<hbm>>) target_semaphore(%run_scoped3A : memref<!tpu.dma_semaphore, #tpu.memory_space<semaphore_mem>>)
      %dma_wait3A_58 = arith.constant 0 : i32
      %dma_wait3A_59 = tpu.memref_slice %arg7[%add3A, %dma_wait3A_58] : memref<32x8192xf32, #tpu.memory_space<hbm>> -> memref<1x8192xf32, #tpu.memory_space<hbm>>
      %dma_wait3A_60 = tpu.memref_squeeze %dma_wait3A_59 : memref<1x8192xf32, #tpu.memory_space<hbm>> -> memref<8192xf32, #tpu.memory_space<hbm>>
      %dma_wait3A_61 = arith.constant 0 : i32
      %dma_wait3A_62 = tpu.memref_slice %arg7[%add3A, %dma_wait3A_61] : memref<32x8192xf32, #tpu.memory_space<hbm>> -> memref<1x8192xf32, #tpu.memory_space<hbm>>
      %dma_wait3A_63 = tpu.memref_squeeze %dma_wait3A_62 : memref<1x8192xf32, #tpu.memory_space<hbm>> -> memref<8192xf32, #tpu.memory_space<hbm>>
      tpu.wait_dma2 semaphore(%run_scoped3A : memref<!tpu.dma_semaphore, #tpu.memory_space<semaphore_mem>>) src(%arg13 : memref<8192xf32, #tpu.memory_space<vmem>>) dst(%dma_wait3A_63 : memref<8192xf32, #tpu.memory_space<hbm>>)
      tpu.yield
    }) : () -> ()
    "tpu.region"() ({
      %run_scoped3A = tpu.sem_alloc : memref<!tpu.dma_semaphore, #tpu.memory_space<semaphore_mem>>
      %dma_start3A_52 = arith.constant 0 : i32
      %dma_start3A_53 = tpu.memref_slice %arg8[%add3A, %dma_start3A_52] : memref<32x8192xf32, #tpu.memory_space<hbm>> -> memref<1x8192xf32, #tpu.memory_space<hbm>>
      %dma_start3A_54 = tpu.memref_squeeze %dma_start3A_53 : memref<1x8192xf32, #tpu.memory_space<hbm>> -> memref<8192xf32, #tpu.memory_space<hbm>>
      %dma_start3A_55 = arith.constant 0 : i32
      %dma_start3A_56 = tpu.memref_slice %arg8[%add3A, %dma_start3A_55] : memref<32x8192xf32, #tpu.memory_space<hbm>> -> memref<1x8192xf32, #tpu.memory_space<hbm>>
      %dma_start3A_57 = tpu.memref_squeeze %dma_start3A_56 : memref<1x8192xf32, #tpu.memory_space<hbm>> -> memref<8192xf32, #tpu.memory_space<hbm>>
      tpu.enqueue_dma source(%arg14 : memref<8192xf32, #tpu.memory_space<vmem>>) target(%dma_start3A_57 : memref<8192xf32, #tpu.memory_space<hbm>>) target_semaphore(%run_scoped3A : memref<!tpu.dma_semaphore, #tpu.memory_space<semaphore_mem>>)
      %dma_wait3A_58 = arith.constant 0 : i32
      %dma_wait3A_59 = tpu.memref_slice %arg8[%add3A, %dma_wait3A_58] : memref<32x8192xf32, #tpu.memory_space<hbm>> -> memref<1x8192xf32, #tpu.memory_space<hbm>>
      %dma_wait3A_60 = tpu.memref_squeeze %dma_wait3A_59 : memref<1x8192xf32, #tpu.memory_space<hbm>> -> memref<8192xf32, #tpu.memory_space<hbm>>
      %dma_wait3A_61 = arith.constant 0 : i32
      %dma_wait3A_62 = tpu.memref_slice %arg8[%add3A, %dma_wait3A_61] : memref<32x8192xf32, #tpu.memory_space<hbm>> -> memref<1x8192xf32, #tpu.memory_space<hbm>>
      %dma_wait3A_63 = tpu.memref_squeeze %dma_wait3A_62 : memref<1x8192xf32, #tpu.memory_space<hbm>> -> memref<8192xf32, #tpu.memory_space<hbm>>
      tpu.wait_dma2 semaphore(%run_scoped3A : memref<!tpu.dma_semaphore, #tpu.memory_space<semaphore_mem>>) src(%arg14 : memref<8192xf32, #tpu.memory_space<vmem>>) dst(%dma_wait3A_63 : memref<8192xf32, #tpu.memory_space<hbm>>)
      tpu.yield
    }) : () -> ()
    %dma_wait3A = arith.constant 0 : i32
    %dma_wait3A_47 = arith.constant 0 : i32
    %dma_wait3A_48 = tpu.memref_slice %arg2[%dma_wait3A, %dma_wait3A_47] : memref<8192x256xf32, #tpu.memory_space<hbm>> -> memref<8192x256xf32, #tpu.memory_space<hbm>>
    tpu.wait_indirect_dma semaphore(%arg15 : memref<!tpu.dma_semaphore, #tpu.memory_space<semaphore_mem>>) src(%dma_wait3A_48 : memref<8192x256xf32, #tpu.memory_space<hbm>>) dst(%arg11 : memref<128x256xf32, #tpu.memory_space<vmem>>)
    "tpu.region"() ({
      %run_scoped3A = tpu.sem_alloc : memref<!tpu.dma_semaphore, #tpu.memory_space<semaphore_mem>>
      %dma_start3A_52 = arith.constant 0 : i32
      %dma_start3A_53 = tpu.memref_slice %arg5[%mul3A_2, %dma_start3A_52] : memref<4096x256xf32, #tpu.memory_space<hbm>> -> memref<128x256xf32, #tpu.memory_space<hbm>>
      %dma_start3A_54 = arith.constant 0 : i32
      %dma_start3A_55 = tpu.memref_slice %arg5[%mul3A_2, %dma_start3A_54] : memref<4096x256xf32, #tpu.memory_space<hbm>> -> memref<128x256xf32, #tpu.memory_space<hbm>>
      tpu.enqueue_dma source(%arg11 : memref<128x256xf32, #tpu.memory_space<vmem>>) target(%dma_start3A_55 : memref<128x256xf32, #tpu.memory_space<hbm>>) target_semaphore(%run_scoped3A : memref<!tpu.dma_semaphore, #tpu.memory_space<semaphore_mem>>)
      %dma_wait3A_56 = arith.constant 0 : i32
      %dma_wait3A_57 = tpu.memref_slice %arg5[%mul3A_2, %dma_wait3A_56] : memref<4096x256xf32, #tpu.memory_space<hbm>> -> memref<128x256xf32, #tpu.memory_space<hbm>>
      %dma_wait3A_58 = arith.constant 0 : i32
      %dma_wait3A_59 = tpu.memref_slice %arg5[%mul3A_2, %dma_wait3A_58] : memref<4096x256xf32, #tpu.memory_space<hbm>> -> memref<128x256xf32, #tpu.memory_space<hbm>>
      tpu.wait_dma2 semaphore(%run_scoped3A : memref<!tpu.dma_semaphore, #tpu.memory_space<semaphore_mem>>) src(%arg11 : memref<128x256xf32, #tpu.memory_space<vmem>>) dst(%dma_wait3A_59 : memref<128x256xf32, #tpu.memory_space<hbm>>)
      tpu.yield
    }) : () -> ()
    %dma_wait3A_49 = arith.constant 0 : i32
    %dma_wait3A_50 = arith.constant 0 : i32
    %dma_wait3A_51 = tpu.memref_slice %arg2[%dma_wait3A_49, %dma_wait3A_50] : memref<8192x256xf32, #tpu.memory_space<hbm>> -> memref<8192x256xf32, #tpu.memory_space<hbm>>
    tpu.wait_indirect_dma semaphore(%arg16 : memref<!tpu.dma_semaphore, #tpu.memory_space<semaphore_mem>>) src(%dma_wait3A_51 : memref<8192x256xf32, #tpu.memory_space<hbm>>) dst(%arg12 : memref<128x256xf32, #tpu.memory_space<vmem>>)
    "tpu.region"() ({
      %run_scoped3A = tpu.sem_alloc : memref<!tpu.dma_semaphore, #tpu.memory_space<semaphore_mem>>
      %dma_start3A_52 = arith.constant 0 : i32
      %dma_start3A_53 = tpu.memref_slice %arg6[%mul3A_2, %dma_start3A_52] : memref<4096x256xf32, #tpu.memory_space<hbm>> -> memref<128x256xf32, #tpu.memory_space<hbm>>
      %dma_start3A_54 = arith.constant 0 : i32
      %dma_start3A_55 = tpu.memref_slice %arg6[%mul3A_2, %dma_start3A_54] : memref<4096x256xf32, #tpu.memory_space<hbm>> -> memref<128x256xf32, #tpu.memory_space<hbm>>
      tpu.enqueue_dma source(%arg12 : memref<128x256xf32, #tpu.memory_space<vmem>>) target(%dma_start3A_55 : memref<128x256xf32, #tpu.memory_space<hbm>>) target_semaphore(%run_scoped3A : memref<!tpu.dma_semaphore, #tpu.memory_space<semaphore_mem>>)
      %dma_wait3A_56 = arith.constant 0 : i32
      %dma_wait3A_57 = tpu.memref_slice %arg6[%mul3A_2, %dma_wait3A_56] : memref<4096x256xf32, #tpu.memory_space<hbm>> -> memref<128x256xf32, #tpu.memory_space<hbm>>
      %dma_wait3A_58 = arith.constant 0 : i32
      %dma_wait3A_59 = tpu.memref_slice %arg6[%mul3A_2, %dma_wait3A_58] : memref<4096x256xf32, #tpu.memory_space<hbm>> -> memref<128x256xf32, #tpu.memory_space<hbm>>
      tpu.wait_dma2 semaphore(%run_scoped3A : memref<!tpu.dma_semaphore, #tpu.memory_space<semaphore_mem>>) src(%arg12 : memref<128x256xf32, #tpu.memory_space<vmem>>) dst(%dma_wait3A_59 : memref<128x256xf32, #tpu.memory_space<hbm>>)
      tpu.yield
    }) : () -> ()
    return
  }
}

module attributes {stable_mosaic.version = 14 : i64} {
  func.func @_final_body(%arg0: i32, %arg1: memref<1024x256xf32, #tpu.memory_space<vmem>>, %arg2: memref<1024x256xf32, #tpu.memory_space<vmem>>, %arg3: memref<1024x256xf32, #tpu.memory_space<vmem>>, %arg4: memref<1024x256xf32, #tpu.memory_space<vmem>>, %arg5: memref<32x8192xf32, #tpu.memory_space<vmem>>, %arg6: memref<32x8192xf32, #tpu.memory_space<vmem>>, %arg7: memref<16xf32, #tpu.memory_space<smem>>, %arg8: memref<4xf32, #tpu.memory_space<smem>>) attributes {dimension_semantics = [#tpu.dimension_semantics<arbitrary>], iteration_bounds = array<i64: 4>, scalar_prefetch = 0 : i64, scratch_operands = 1 : i64, tpu.core_type = #tpu.core_type<tc>, window_params = [{transform_indices = @transform_0, window_bounds = array<i64: 1024, 256>}, {transform_indices = @transform_1, window_bounds = array<i64: 1024, 256>}, {transform_indices = @transform_2, window_bounds = array<i64: 1024, 256>}, {transform_indices = @transform_3, window_bounds = array<i64: 1024, 256>}, {pipeline_mode = #tpu.pipeline_mode<synchronous>, transform_indices = @transform_4, window_bounds = array<i64: 32, 8192>}, {pipeline_mode = #tpu.pipeline_mode<synchronous>, transform_indices = @transform_5, window_bounds = array<i64: 32, 8192>}, {transform_indices = @transform_6, window_bounds = array<i64: 16>}]} {
    %eq3A = arith.constant 0 : i32
    %eq3A_0 = arith.cmpi eq, %arg0, %eq3A : i32
    %convert_element_type3A = arith.extui %eq3A_0 : i1 to i32
    %cond3A = arith.constant 0 : i32
    %cond3A_1 = arith.cmpi ne, %convert_element_type3A, %cond3A : i32
    scf.if %cond3A_1 {
      %swap3A_61 = arith.constant 0.000000e+00 : f32
      %swap3A_62 = arith.constant 0 : index
      %swap3A_63 = memref.load %arg8[%swap3A_62] : memref<4xf32, #tpu.memory_space<smem>>
      memref.store %swap3A_61, %arg8[%swap3A_62] : memref<4xf32, #tpu.memory_space<smem>>
      %swap3A_64 = arith.constant 0.000000e+00 : f32
      %swap3A_65 = arith.constant 1 : index
      %swap3A_66 = memref.load %arg8[%swap3A_65] : memref<4xf32, #tpu.memory_space<smem>>
      memref.store %swap3A_64, %arg8[%swap3A_65] : memref<4xf32, #tpu.memory_space<smem>>
      %swap3A_67 = arith.constant 0.000000e+00 : f32
      %swap3A_68 = arith.constant 2 : index
      %swap3A_69 = memref.load %arg8[%swap3A_68] : memref<4xf32, #tpu.memory_space<smem>>
      memref.store %swap3A_67, %arg8[%swap3A_68] : memref<4xf32, #tpu.memory_space<smem>>
      %swap3A_70 = arith.constant 0.000000e+00 : f32
      %swap3A_71 = arith.constant 3 : index
      %swap3A_72 = memref.load %arg8[%swap3A_71] : memref<4xf32, #tpu.memory_space<smem>>
      memref.store %swap3A_70, %arg8[%swap3A_71] : memref<4xf32, #tpu.memory_space<smem>>
    } else {
    }
    %get3A = arith.constant 0 : index
    %get3A_2 = arith.constant 0 : index
    %get3A_3 = vector.load %arg1[%get3A, %get3A_2] : memref<1024x256xf32, #tpu.memory_space<vmem>>, vector<1024x256xf32>
    %get3A_4 = arith.constant 0 : index
    %get3A_5 = arith.constant 0 : index
    %get3A_6 = vector.load %arg2[%get3A_4, %get3A_5] : memref<1024x256xf32, #tpu.memory_space<vmem>>, vector<1024x256xf32>
    %get3A_7 = arith.constant 0 : index
    %get3A_8 = arith.constant 0 : index
    %get3A_9 = vector.load %arg3[%get3A_7, %get3A_8] : memref<1024x256xf32, #tpu.memory_space<vmem>>, vector<1024x256xf32>
    %get3A_10 = arith.constant 0 : index
    %get3A_11 = arith.constant 0 : index
    %get3A_12 = vector.load %arg4[%get3A_10, %get3A_11] : memref<1024x256xf32, #tpu.memory_space<vmem>>, vector<1024x256xf32>
    %sub3A = arith.subf %get3A_3, %get3A_9 : vector<1024x256xf32>
    %sub3A_13 = arith.subf %get3A_6, %get3A_12 : vector<1024x256xf32>
    %sub3A_14 = arith.subf %get3A_12, %get3A_3 : vector<1024x256xf32>
    %sub3A_15 = arith.subf %get3A_9, %get3A_6 : vector<1024x256xf32>
    %get3A_16 = arith.constant 0 : index
    %get3A_17 = memref.load %arg8[%get3A_16] : memref<4xf32, #tpu.memory_space<smem>>
    %mul3A = arith.mulf %sub3A, %sub3A : vector<1024x256xf32>
    %reduce_sum3A = vector.shape_cast %mul3A : vector<1024x256xf32> to vector<1x1024x256xf32>
    %reduce_sum3A_18 = arith.constant dense<0.000000e+00> : vector<1xf32>
    %reduce_sum3A_19 = vector.multi_reduction <add>, %reduce_sum3A, %reduce_sum3A_18 [1, 2] : vector<1x1024x256xf32> to vector<1xf32>
    %reduce_sum3A_20 = vector.shape_cast %reduce_sum3A_19 : vector<1xf32> to vector<1x1x1xf32>
    %reduce_sum3A_21 = vector.extract %reduce_sum3A_20[0, 0, 0] : f32 from vector<1x1x1xf32>
    %add3A = arith.addf %get3A_17, %reduce_sum3A_21 : f32
    %swap3A = arith.constant 0 : index
    %swap3A_22 = memref.load %arg8[%swap3A] : memref<4xf32, #tpu.memory_space<smem>>
    memref.store %add3A, %arg8[%swap3A] : memref<4xf32, #tpu.memory_space<smem>>
    %get3A_23 = arith.constant 1 : index
    %get3A_24 = memref.load %arg8[%get3A_23] : memref<4xf32, #tpu.memory_space<smem>>
    %mul3A_25 = arith.mulf %sub3A_13, %sub3A_13 : vector<1024x256xf32>
    %reduce_sum3A_26 = vector.shape_cast %mul3A_25 : vector<1024x256xf32> to vector<1x1024x256xf32>
    %reduce_sum3A_27 = arith.constant dense<0.000000e+00> : vector<1xf32>
    %reduce_sum3A_28 = vector.multi_reduction <add>, %reduce_sum3A_26, %reduce_sum3A_27 [1, 2] : vector<1x1024x256xf32> to vector<1xf32>
    %reduce_sum3A_29 = vector.shape_cast %reduce_sum3A_28 : vector<1xf32> to vector<1x1x1xf32>
    %reduce_sum3A_30 = vector.extract %reduce_sum3A_29[0, 0, 0] : f32 from vector<1x1x1xf32>
    %add3A_31 = arith.addf %get3A_24, %reduce_sum3A_30 : f32
    %swap3A_32 = arith.constant 1 : index
    %swap3A_33 = memref.load %arg8[%swap3A_32] : memref<4xf32, #tpu.memory_space<smem>>
    memref.store %add3A_31, %arg8[%swap3A_32] : memref<4xf32, #tpu.memory_space<smem>>
    %get3A_34 = arith.constant 2 : index
    %get3A_35 = memref.load %arg8[%get3A_34] : memref<4xf32, #tpu.memory_space<smem>>
    %mul3A_36 = arith.mulf %sub3A_14, %sub3A_14 : vector<1024x256xf32>
    %reduce_sum3A_37 = vector.shape_cast %mul3A_36 : vector<1024x256xf32> to vector<1x1024x256xf32>
    %reduce_sum3A_38 = arith.constant dense<0.000000e+00> : vector<1xf32>
    %reduce_sum3A_39 = vector.multi_reduction <add>, %reduce_sum3A_37, %reduce_sum3A_38 [1, 2] : vector<1x1024x256xf32> to vector<1xf32>
    %reduce_sum3A_40 = vector.shape_cast %reduce_sum3A_39 : vector<1xf32> to vector<1x1x1xf32>
    %reduce_sum3A_41 = vector.extract %reduce_sum3A_40[0, 0, 0] : f32 from vector<1x1x1xf32>
    %add3A_42 = arith.addf %get3A_35, %reduce_sum3A_41 : f32
    %swap3A_43 = arith.constant 2 : index
    %swap3A_44 = memref.load %arg8[%swap3A_43] : memref<4xf32, #tpu.memory_space<smem>>
    memref.store %add3A_42, %arg8[%swap3A_43] : memref<4xf32, #tpu.memory_space<smem>>
    %get3A_45 = arith.constant 3 : index
    %get3A_46 = memref.load %arg8[%get3A_45] : memref<4xf32, #tpu.memory_space<smem>>
    %mul3A_47 = arith.mulf %sub3A_15, %sub3A_15 : vector<1024x256xf32>
    %reduce_sum3A_48 = vector.shape_cast %mul3A_47 : vector<1024x256xf32> to vector<1x1024x256xf32>
    %reduce_sum3A_49 = arith.constant dense<0.000000e+00> : vector<1xf32>
    %reduce_sum3A_50 = vector.multi_reduction <add>, %reduce_sum3A_48, %reduce_sum3A_49 [1, 2] : vector<1x1024x256xf32> to vector<1xf32>
    %reduce_sum3A_51 = vector.shape_cast %reduce_sum3A_50 : vector<1xf32> to vector<1x1x1xf32>
    %reduce_sum3A_52 = vector.extract %reduce_sum3A_51[0, 0, 0] : f32 from vector<1x1x1xf32>
    %add3A_53 = arith.addf %get3A_46, %reduce_sum3A_52 : f32
    %swap3A_54 = arith.constant 3 : index
    %swap3A_55 = memref.load %arg8[%swap3A_54] : memref<4xf32, #tpu.memory_space<smem>>
    memref.store %add3A_53, %arg8[%swap3A_54] : memref<4xf32, #tpu.memory_space<smem>>
    %eq3A_56 = arith.constant 3 : i32
    %eq3A_57 = arith.cmpi eq, %arg0, %eq3A_56 : i32
    %convert_element_type3A_58 = arith.extui %eq3A_57 : i1 to i32
    %cond3A_59 = arith.constant 0 : i32
    %cond3A_60 = arith.cmpi ne, %convert_element_type3A_58, %cond3A_59 : i32
    scf.if %cond3A_60 {
      %get3A_61 = arith.constant 0 : index
      %get3A_62 = memref.load %arg8[%get3A_61] : memref<4xf32, #tpu.memory_space<smem>>
      %div3A = arith.constant 0x49800000 : f32
      %div3A_63 = arith.divf %get3A_62, %div3A : f32
      %get3A_64 = arith.constant 1 : index
      %get3A_65 = memref.load %arg8[%get3A_64] : memref<4xf32, #tpu.memory_space<smem>>
      %div3A_66 = arith.constant 0x49800000 : f32
      %div3A_67 = arith.divf %get3A_65, %div3A_66 : f32
      %get3A_68 = arith.constant 2 : index
      %get3A_69 = memref.load %arg8[%get3A_68] : memref<4xf32, #tpu.memory_space<smem>>
      %div3A_70 = arith.constant 0x49800000 : f32
      %div3A_71 = arith.divf %get3A_69, %div3A_70 : f32
      %get3A_72 = arith.constant 3 : index
      %get3A_73 = memref.load %arg8[%get3A_72] : memref<4xf32, #tpu.memory_space<smem>>
      %div3A_74 = arith.constant 0x49800000 : f32
      %div3A_75 = arith.divf %get3A_73, %div3A_74 : f32
      %mul3A_76 = arith.constant 5.000000e-01 : f32
      %mul3A_77 = arith.mulf %mul3A_76, %div3A_63 : f32
      %add3A_78 = arith.addf %div3A_67, %div3A_63 : f32
      %mul3A_79 = arith.constant 5.000000e-01 : f32
      %mul3A_80 = arith.mulf %mul3A_79, %div3A_71 : f32
      %add3A_81 = arith.addf %add3A_78, %mul3A_80 : f32
      %mul3A_82 = arith.constant 5.000000e-01 : f32
      %mul3A_83 = arith.mulf %mul3A_82, %div3A_75 : f32
      %add3A_84 = arith.addf %add3A_81, %mul3A_83 : f32
      %mul3A_85 = arith.constant 5.000000e-01 : f32
      %mul3A_86 = arith.mulf %mul3A_85, %div3A_67 : f32
      %mul3A_87 = arith.constant 2.500000e-01 : f32
      %mul3A_88 = arith.mulf %mul3A_87, %add3A_84 : f32
      %add3A_89 = arith.addf %mul3A_86, %mul3A_88 : f32
      %get3A_90 = arith.constant 0 : index
      %get3A_91 = arith.constant 0 : index
      %get3A_92 = vector.load %arg5[%get3A_90, %get3A_91] : memref<32x8192xf32, #tpu.memory_space<vmem>>, vector<32x8192xf32>
      %reduce_sum3A_93 = arith.constant dense<0.000000e+00> : vector<8192xf32>
      %reduce_sum3A_94 = vector.multi_reduction <add>, %get3A_92, %reduce_sum3A_93 [0] : vector<32x8192xf32> to vector<8192xf32>
      %broadcast_in_dim3A = vector.shape_cast %reduce_sum3A_94 : vector<8192xf32> to vector<1x8192xf32>
      %get3A_95 = arith.constant 0 : index
      %get3A_96 = arith.constant 0 : index
      %get3A_97 = vector.load %arg6[%get3A_95, %get3A_96] : memref<32x8192xf32, #tpu.memory_space<vmem>>, vector<32x8192xf32>
      %reduce_sum3A_98 = arith.constant dense<0.000000e+00> : vector<8192xf32>
      %reduce_sum3A_99 = vector.multi_reduction <add>, %get3A_97, %reduce_sum3A_98 [0] : vector<32x8192xf32> to vector<8192xf32>
      %broadcast_in_dim3A_100 = vector.shape_cast %reduce_sum3A_99 : vector<8192xf32> to vector<1x8192xf32>
      %mul3A_101 = arith.constant 2.44140625E-4 : f32
      %mul3A_102 = vector.broadcast %mul3A_101 : f32 to vector<1x8192xf32>
      %mul3A_103 = arith.mulf %broadcast_in_dim3A, %mul3A_102 : vector<1x8192xf32>
      %mul3A_104 = arith.constant 2.44140625E-4 : f32
      %mul3A_105 = vector.broadcast %mul3A_104 : f32 to vector<1x8192xf32>
      %mul3A_106 = arith.mulf %broadcast_in_dim3A_100, %mul3A_105 : vector<1x8192xf32>
      %add3A_107 = arith.constant 1.000000e-10 : f32
      %add3A_108 = vector.broadcast %add3A_107 : f32 to vector<1x8192xf32>
      %add3A_109 = arith.addf %mul3A_103, %add3A_108 : vector<1x8192xf32>
      %log3A = math.log %add3A_109 : vector<1x8192xf32>
      %mul3A_110 = arith.mulf %mul3A_103, %log3A : vector<1x8192xf32>
      %reduce_sum3A_111 = vector.shape_cast %mul3A_110 : vector<1x8192xf32> to vector<1x1x8192xf32>
      %reduce_sum3A_112 = arith.constant dense<0.000000e+00> : vector<1xf32>
      %reduce_sum3A_113 = vector.multi_reduction <add>, %reduce_sum3A_111, %reduce_sum3A_112 [1, 2] : vector<1x1x8192xf32> to vector<1xf32>
      %reduce_sum3A_114 = vector.shape_cast %reduce_sum3A_113 : vector<1xf32> to vector<1x1x1xf32>
      %reduce_sum3A_115 = vector.extract %reduce_sum3A_114[0, 0, 0] : f32 from vector<1x1x1xf32>
      %neg3A = arith.constant 0.000000e+00 : f32
      %neg3A_116 = arith.subf %neg3A, %reduce_sum3A_115 : f32
      %exp3A = math.exp %neg3A_116 : f32
      %add3A_117 = arith.constant 1.000000e-10 : f32
      %add3A_118 = vector.broadcast %add3A_117 : f32 to vector<1x8192xf32>
      %add3A_119 = arith.addf %mul3A_106, %add3A_118 : vector<1x8192xf32>
      %log3A_120 = math.log %add3A_119 : vector<1x8192xf32>
      %mul3A_121 = arith.mulf %mul3A_106, %log3A_120 : vector<1x8192xf32>
      %reduce_sum3A_122 = vector.shape_cast %mul3A_121 : vector<1x8192xf32> to vector<1x1x8192xf32>
      %reduce_sum3A_123 = arith.constant dense<0.000000e+00> : vector<1xf32>
      %reduce_sum3A_124 = vector.multi_reduction <add>, %reduce_sum3A_122, %reduce_sum3A_123 [1, 2] : vector<1x1x8192xf32> to vector<1xf32>
      %reduce_sum3A_125 = vector.shape_cast %reduce_sum3A_124 : vector<1xf32> to vector<1x1x1xf32>
      %reduce_sum3A_126 = vector.extract %reduce_sum3A_125[0, 0, 0] : f32 from vector<1x1x1xf32>
      %neg3A_127 = arith.constant 0.000000e+00 : f32
      %neg3A_128 = arith.subf %neg3A_127, %reduce_sum3A_126 : f32
      %exp3A_129 = math.exp %neg3A_128 : f32
      %gt3A = arith.constant 0.000000e+00 : f32
      %gt3A_130 = vector.broadcast %gt3A : f32 to vector<1x8192xf32>
      %gt3A_131 = arith.cmpf ogt, %broadcast_in_dim3A, %gt3A_130 : vector<1x8192xf32>
      %gt3A_132 = arith.constant 0.000000e+00 : f32
      %gt3A_133 = vector.broadcast %gt3A_132 : f32 to vector<1x8192xf32>
      %gt3A_134 = arith.cmpf ogt, %broadcast_in_dim3A_100, %gt3A_133 : vector<1x8192xf32>
      %or3A = arith.ori %gt3A_131, %gt3A_134 : vector<1x8192xi1>
      %convert_element_type3A_135 = arith.extui %or3A : vector<1x8192xi1> to vector<1x8192xi32>
      %convert_element_type3A_136 = arith.sitofp %convert_element_type3A_135 : vector<1x8192xi32> to vector<1x8192xf32>
      %reduce_sum3A_137 = vector.shape_cast %convert_element_type3A_136 : vector<1x8192xf32> to vector<1x1x8192xf32>
      %reduce_sum3A_138 = arith.constant dense<0.000000e+00> : vector<1xf32>
      %reduce_sum3A_139 = vector.multi_reduction <add>, %reduce_sum3A_137, %reduce_sum3A_138 [1, 2] : vector<1x1x8192xf32> to vector<1xf32>
      %reduce_sum3A_140 = vector.shape_cast %reduce_sum3A_139 : vector<1xf32> to vector<1x1x1xf32>
      %reduce_sum3A_141 = vector.extract %reduce_sum3A_140[0, 0, 0] : f32 from vector<1x1x1xf32>
      %and3A = arith.andi %gt3A_131, %gt3A_134 : vector<1x8192xi1>
      %convert_element_type3A_142 = arith.extui %and3A : vector<1x8192xi1> to vector<1x8192xi32>
      %convert_element_type3A_143 = arith.sitofp %convert_element_type3A_142 : vector<1x8192xi32> to vector<1x8192xf32>
      %reduce_sum3A_144 = vector.shape_cast %convert_element_type3A_143 : vector<1x8192xf32> to vector<1x1x8192xf32>
      %reduce_sum3A_145 = arith.constant dense<0.000000e+00> : vector<1xf32>
      %reduce_sum3A_146 = vector.multi_reduction <add>, %reduce_sum3A_144, %reduce_sum3A_145 [1, 2] : vector<1x1x8192xf32> to vector<1xf32>
      %reduce_sum3A_147 = vector.shape_cast %reduce_sum3A_146 : vector<1xf32> to vector<1x1x1xf32>
      %reduce_sum3A_148 = vector.extract %reduce_sum3A_147[0, 0, 0] : f32 from vector<1x1x1xf32>
      %convert_element_type3A_149 = arith.extui %gt3A_131 : vector<1x8192xi1> to vector<1x8192xi32>
      %convert_element_type3A_150 = arith.sitofp %convert_element_type3A_149 : vector<1x8192xi32> to vector<1x8192xf32>
      %reduce_sum3A_151 = vector.shape_cast %convert_element_type3A_150 : vector<1x8192xf32> to vector<1x1x8192xf32>
      %reduce_sum3A_152 = arith.constant dense<0.000000e+00> : vector<1xf32>
      %reduce_sum3A_153 = vector.multi_reduction <add>, %reduce_sum3A_151, %reduce_sum3A_152 [1, 2] : vector<1x1x8192xf32> to vector<1xf32>
      %reduce_sum3A_154 = vector.shape_cast %reduce_sum3A_153 : vector<1xf32> to vector<1x1x1xf32>
      %reduce_sum3A_155 = vector.extract %reduce_sum3A_154[0, 0, 0] : f32 from vector<1x1x1xf32>
      %convert_element_type3A_156 = arith.extui %gt3A_134 : vector<1x8192xi1> to vector<1x8192xi32>
      %convert_element_type3A_157 = arith.sitofp %convert_element_type3A_156 : vector<1x8192xi32> to vector<1x8192xf32>
      %reduce_sum3A_158 = vector.shape_cast %convert_element_type3A_157 : vector<1x8192xf32> to vector<1x1x8192xf32>
      %reduce_sum3A_159 = arith.constant dense<0.000000e+00> : vector<1xf32>
      %reduce_sum3A_160 = vector.multi_reduction <add>, %reduce_sum3A_158, %reduce_sum3A_159 [1, 2] : vector<1x1x8192xf32> to vector<1xf32>
      %reduce_sum3A_161 = vector.shape_cast %reduce_sum3A_160 : vector<1xf32> to vector<1x1x1xf32>
      %reduce_sum3A_162 = vector.extract %reduce_sum3A_161[0, 0, 0] : f32 from vector<1x1x1xf32>
      %swap3A_163 = arith.constant 0 : index
      %swap3A_164 = memref.load %arg7[%swap3A_163] : memref<16xf32, #tpu.memory_space<smem>>
      memref.store %mul3A_77, %arg7[%swap3A_163] : memref<16xf32, #tpu.memory_space<smem>>
      %swap3A_165 = arith.constant 1 : index
      %swap3A_166 = memref.load %arg7[%swap3A_165] : memref<16xf32, #tpu.memory_space<smem>>
      memref.store %add3A_89, %arg7[%swap3A_165] : memref<16xf32, #tpu.memory_space<smem>>
      %swap3A_167 = arith.constant 2 : index
      %swap3A_168 = memref.load %arg7[%swap3A_167] : memref<16xf32, #tpu.memory_space<smem>>
      memref.store %exp3A, %arg7[%swap3A_167] : memref<16xf32, #tpu.memory_space<smem>>
      %swap3A_169 = arith.constant 3 : index
      %swap3A_170 = memref.load %arg7[%swap3A_169] : memref<16xf32, #tpu.memory_space<smem>>
      memref.store %exp3A_129, %arg7[%swap3A_169] : memref<16xf32, #tpu.memory_space<smem>>
      %mul3A_171 = arith.constant 1.22070313E-4 : f32
      %mul3A_172 = arith.mulf %reduce_sum3A_141, %mul3A_171 : f32
      %swap3A_173 = arith.constant 4 : index
      %swap3A_174 = memref.load %arg7[%swap3A_173] : memref<16xf32, #tpu.memory_space<smem>>
      memref.store %mul3A_172, %arg7[%swap3A_173] : memref<16xf32, #tpu.memory_space<smem>>
      %mul3A_175 = arith.constant 1.22070313E-4 : f32
      %mul3A_176 = arith.mulf %reduce_sum3A_155, %mul3A_175 : f32
      %swap3A_177 = arith.constant 5 : index
      %swap3A_178 = memref.load %arg7[%swap3A_177] : memref<16xf32, #tpu.memory_space<smem>>
      memref.store %mul3A_176, %arg7[%swap3A_177] : memref<16xf32, #tpu.memory_space<smem>>
      %mul3A_179 = arith.constant 1.22070313E-4 : f32
      %mul3A_180 = arith.mulf %reduce_sum3A_162, %mul3A_179 : f32
      %swap3A_181 = arith.constant 6 : index
      %swap3A_182 = memref.load %arg7[%swap3A_181] : memref<16xf32, #tpu.memory_space<smem>>
      memref.store %mul3A_180, %arg7[%swap3A_181] : memref<16xf32, #tpu.memory_space<smem>>
      %mul3A_183 = arith.constant 1.22070313E-4 : f32
      %mul3A_184 = arith.mulf %reduce_sum3A_148, %mul3A_183 : f32
      %swap3A_185 = arith.constant 7 : index
      %swap3A_186 = memref.load %arg7[%swap3A_185] : memref<16xf32, #tpu.memory_space<smem>>
      memref.store %mul3A_184, %arg7[%swap3A_185] : memref<16xf32, #tpu.memory_space<smem>>
      %mul3A_187 = arith.constant 1.22070313E-4 : f32
      %mul3A_188 = arith.mulf %reduce_sum3A_141, %mul3A_187 : f32
      %swap3A_189 = arith.constant 8 : index
      %swap3A_190 = memref.load %arg7[%swap3A_189] : memref<16xf32, #tpu.memory_space<smem>>
      memref.store %mul3A_188, %arg7[%swap3A_189] : memref<16xf32, #tpu.memory_space<smem>>
      %swap3A_191 = arith.constant 9 : index
      %swap3A_192 = memref.load %arg7[%swap3A_191] : memref<16xf32, #tpu.memory_space<smem>>
      memref.store %reduce_sum3A_141, %arg7[%swap3A_191] : memref<16xf32, #tpu.memory_space<smem>>
    } else {
    }
    return
  }
  func.func @transform_0(%arg0: i32) -> (i32, i32) {
    %c0_i32 = arith.constant 0 : i32
    %c0_i32_0 = arith.constant 0 : i32
    return %arg0, %c0_i32 : i32, i32
  }
  func.func @transform_1(%arg0: i32) -> (i32, i32) {
    %c0_i32 = arith.constant 0 : i32
    %c0_i32_0 = arith.constant 0 : i32
    return %arg0, %c0_i32 : i32, i32
  }
  func.func @transform_2(%arg0: i32) -> (i32, i32) {
    %c0_i32 = arith.constant 0 : i32
    %c0_i32_0 = arith.constant 0 : i32
    return %arg0, %c0_i32 : i32, i32
  }
  func.func @transform_3(%arg0: i32) -> (i32, i32) {
    %c0_i32 = arith.constant 0 : i32
    %c0_i32_0 = arith.constant 0 : i32
    return %arg0, %c0_i32 : i32, i32
  }
  func.func @transform_4(%arg0: i32) -> (i32, i32) {
    %c0_i32 = arith.constant 0 : i32
    %c0_i32_0 = arith.constant 0 : i32
    %c0_i32_1 = arith.constant 0 : i32
    return %c0_i32, %c0_i32_0 : i32, i32
  }
  func.func @transform_5(%arg0: i32) -> (i32, i32) {
    %c0_i32 = arith.constant 0 : i32
    %c0_i32_0 = arith.constant 0 : i32
    %c0_i32_1 = arith.constant 0 : i32
    return %c0_i32, %c0_i32_0 : i32, i32
  }
  func.func @transform_6(%arg0: i32) -> i32 {
    %c0_i32 = arith.constant 0 : i32
    %c0_i32_0 = arith.constant 0 : i32
    return %c0_i32 : i32
  }
}

module attributes {stable_mosaic.version = 14 : i64} {
  func.func @_pa_body(%arg0: i32, %arg1: memref<512x256xf32, #tpu.memory_space<vmem>>, %arg2: memref<256x256xf32, #tpu.memory_space<vmem>>, %arg3: memref<1x256xf32, #tpu.memory_space<vmem>>, %arg4: memref<512x256xf32, #tpu.memory_space<vmem>>, %arg5: memref<512x256xf32, #tpu.memory_space<vmem>>, %arg6: memref<512x256xf32, #tpu.memory_space<vmem>>, %arg7: memref<512xi32, #tpu.memory_space<vmem>>, %arg8: memref<512xi32, #tpu.memory_space<vmem>>, %arg9: memref<8192x256xf32, #tpu.memory_space<vmem>>, %arg10: memref<1x8192xf32, #tpu.memory_space<vmem>>) attributes {dimension_semantics = [#tpu.dimension_semantics<arbitrary>], iteration_bounds = array<i64: 24>, scalar_prefetch = 0 : i64, scratch_operands = 2 : i64, tpu.core_type = #tpu.core_type<tc>, window_params = [{transform_indices = @transform_0, window_bounds = array<i64: 512, 256>}, {pipeline_mode = #tpu.pipeline_mode<synchronous>, transform_indices = @transform_1, window_bounds = array<i64: 256, 256>}, {pipeline_mode = #tpu.pipeline_mode<synchronous>, transform_indices = @transform_2, window_bounds = array<i64: 1, 256>}, {transform_indices = @transform_3, window_bounds = array<i64: 512, 256>}, {transform_indices = @transform_4, window_bounds = array<i64: 512, 256>}, {transform_indices = @transform_5, window_bounds = array<i64: 512, 256>}, {transform_indices = @transform_6, window_bounds = array<i64: 512>}, {transform_indices = @transform_7, window_bounds = array<i64: 512>}]} {
    %lt3A = arith.constant 16 : i32
    %lt3A_0 = arith.cmpi slt, %arg0, %lt3A : i32
    %convert_element_type3A = arith.extui %lt3A_0 : i1 to i32
    %cond3A = arith.constant 0 : i32
    %cond3A_1 = arith.cmpi ne, %convert_element_type3A, %cond3A : i32
    scf.if %cond3A_1 {
      %get3A = arith.constant 0 : index
      %get3A_6 = arith.constant 0 : index
      %get3A_7 = vector.load %arg1[%get3A, %get3A_6] : memref<512x256xf32, #tpu.memory_space<vmem>>, vector<512x256xf32>
      %get3A_8 = arith.constant 0 : index
      %get3A_9 = arith.constant 0 : index
      %get3A_10 = vector.load %arg2[%get3A_8, %get3A_9] : memref<256x256xf32, #tpu.memory_space<vmem>>, vector<256x256xf32>
      %dot_general3A = arith.constant dense<0.000000e+00> : vector<512x256xf32>
      %dot_general3A_11 = tpu.matmul %get3A_7, %get3A_10, %dot_general3A {dimension_numbers = #tpu.dot_dimension_numbers<[1], [1], [0], [0], [0, 0, 1, 0], [], []>, transpose_lhs_hint = false} : vector<512x256xf32>, vector<256x256xf32>, vector<512x256xf32> -> vector<512x256xf32>
      %get3A_12 = arith.constant 0 : index
      %get3A_13 = arith.constant 0 : index
      %get3A_14 = vector.load %arg3[%get3A_12, %get3A_13] : memref<1x256xf32, #tpu.memory_space<vmem>>, vector<1x256xf32>
      %add3A = vector.broadcast %get3A_14 : vector<1x256xf32> to vector<512x256xf32>
      %add3A_15 = arith.addf %dot_general3A_11, %add3A : vector<512x256xf32>
      %swap3A = arith.constant 0 : index
      %swap3A_16 = arith.constant 0 : index
      %swap3A_17 = vector.load %arg6[%swap3A, %swap3A_16] : memref<512x256xf32, #tpu.memory_space<vmem>>, vector<512x256xf32>
      tpu.vector_store %arg6[%swap3A, %swap3A_16], %add3A_15 {strides = array<i32>} : memref<512x256xf32, #tpu.memory_space<vmem>>, vector<512x256xf32>,
      %add3A_18 = arith.addf %add3A_15, %add3A_15 : vector<512x256xf32>
      %mul3A = arith.constant 512 : i32
      %mul3A_19 = arith.muli %arg0, %mul3A : i32
      %swap3A_20 = arith.index_cast %mul3A_19 : i32 to index
      %swap3A_21 = arith.constant 0 : index
      %swap3A_22 = vector.load %arg9[%swap3A_20, %swap3A_21] : memref<8192x256xf32, #tpu.memory_space<vmem>>, vector<512x256xf32>
      tpu.vector_store %arg9[%swap3A_20, %swap3A_21], %add3A_18 {strides = array<i32>} : memref<8192x256xf32, #tpu.memory_space<vmem>>, vector<512x256xf32>,
      %mul3A_23 = arith.mulf %add3A_15, %add3A_15 : vector<512x256xf32>
      %reduce_sum3A = arith.constant dense<0.000000e+00> : vector<512xf32>
      %reduce_sum3A_24 = vector.multi_reduction <add>, %mul3A_23, %reduce_sum3A [1] : vector<512x256xf32> to vector<512xf32>
      %reshape3A = vector.shape_cast %reduce_sum3A_24 : vector<512xf32> to vector<1x512xf32>
      %mul3A_25 = arith.constant 512 : i32
      %mul3A_26 = arith.muli %arg0, %mul3A_25 : i32
      %swap3A_27 = arith.constant 0 : index
      %swap3A_28 = arith.index_cast %mul3A_26 : i32 to index
      %swap3A_29 = vector.load %arg10[%swap3A_27, %swap3A_28] : memref<1x8192xf32, #tpu.memory_space<vmem>>, vector<1x512xf32>
      tpu.vector_store %arg10[%swap3A_27, %swap3A_28], %reshape3A {strides = array<i32>} : memref<1x8192xf32, #tpu.memory_space<vmem>>, vector<1x512xf32>,
    } else {
    }
    %ge3A = arith.constant 16 : i32
    %ge3A_2 = arith.cmpi sge, %arg0, %ge3A : i32
    %convert_element_type3A_3 = arith.extui %ge3A_2 : i1 to i32
    %cond3A_4 = arith.constant 0 : i32
    %cond3A_5 = arith.cmpi ne, %convert_element_type3A_3, %cond3A_4 : i32
    scf.if %cond3A_5 {
      %get3A = arith.constant 0 : index
      %get3A_6 = arith.constant 0 : index
      %get3A_7 = vector.load %arg9[%get3A, %get3A_6] : memref<8192x256xf32, #tpu.memory_space<vmem>>, vector<8192x256xf32>
      %get3A_8 = arith.constant 0 : index
      %get3A_9 = arith.constant 0 : index
      %get3A_10 = vector.load %arg10[%get3A_8, %get3A_9] : memref<1x8192xf32, #tpu.memory_space<vmem>>, vector<1x8192xf32>
      %get3A_11 = arith.constant 0 : index
      %get3A_12 = arith.constant 0 : index
      %get3A_13 = vector.load %arg4[%get3A_11, %get3A_12] : memref<512x256xf32, #tpu.memory_space<vmem>>, vector<512x256xf32>
      %mul3A = arith.mulf %get3A_13, %get3A_13 : vector<512x256xf32>
      %reduce_sum3A = arith.constant dense<0.000000e+00> : vector<512xf32>
      %reduce_sum3A_14 = vector.multi_reduction <add>, %mul3A, %reduce_sum3A [1] : vector<512x256xf32> to vector<512xf32>
      %broadcast_in_dim3A = vector.shape_cast %reduce_sum3A_14 : vector<512xf32> to vector<512x1xf32>
      %dot_general3A = arith.constant dense<0.000000e+00> : vector<512x8192xf32>
      %dot_general3A_15 = tpu.matmul %get3A_13, %get3A_7, %dot_general3A {dimension_numbers = #tpu.dot_dimension_numbers<[1], [1], [0], [0], [0, 0, 1, 0], [], []>, transpose_lhs_hint = false} : vector<512x256xf32>, vector<8192x256xf32>, vector<512x8192xf32> -> vector<512x8192xf32>
      %add3A = vector.broadcast %broadcast_in_dim3A : vector<512x1xf32> to vector<512x8192xf32>
      %add3A_16 = vector.broadcast %get3A_10 : vector<1x8192xf32> to vector<512x8192xf32>
      %add3A_17 = arith.addf %add3A, %add3A_16 : vector<512x8192xf32>
      %sub3A = arith.subf %add3A_17, %dot_general3A_15 : vector<512x8192xf32>
      %argmin3A = tpu.reduce_index %sub3A {axis = 1 : i32, kind = #tpu.reduction_kind<arg_min>} : vector<512x8192xf32> -> vector<512xi32>
      %swap3A = arith.constant 0 : index
      %swap3A_18 = vector.load %arg7[%swap3A] : memref<512xi32, #tpu.memory_space<vmem>>, vector<512xi32>
      tpu.vector_store %arg7[%swap3A], %argmin3A {strides = array<i32>} : memref<512xi32, #tpu.memory_space<vmem>>, vector<512xi32>,
      %get3A_19 = arith.constant 0 : index
      %get3A_20 = arith.constant 0 : index
      %get3A_21 = vector.load %arg5[%get3A_19, %get3A_20] : memref<512x256xf32, #tpu.memory_space<vmem>>, vector<512x256xf32>
      %mul3A_22 = arith.mulf %get3A_21, %get3A_21 : vector<512x256xf32>
      %reduce_sum3A_23 = arith.constant dense<0.000000e+00> : vector<512xf32>
      %reduce_sum3A_24 = vector.multi_reduction <add>, %mul3A_22, %reduce_sum3A_23 [1] : vector<512x256xf32> to vector<512xf32>
      %broadcast_in_dim3A_25 = vector.shape_cast %reduce_sum3A_24 : vector<512xf32> to vector<512x1xf32>
      %dot_general3A_26 = arith.constant dense<0.000000e+00> : vector<512x8192xf32>
      %dot_general3A_27 = tpu.matmul %get3A_21, %get3A_7, %dot_general3A_26 {dimension_numbers = #tpu.dot_dimension_numbers<[1], [1], [0], [0], [0, 0, 1, 0], [], []>, transpose_lhs_hint = false} : vector<512x256xf32>, vector<8192x256xf32>, vector<512x8192xf32> -> vector<512x8192xf32>
      %add3A_28 = vector.broadcast %broadcast_in_dim3A_25 : vector<512x1xf32> to vector<512x8192xf32>
      %add3A_29 = vector.broadcast %get3A_10 : vector<1x8192xf32> to vector<512x8192xf32>
      %add3A_30 = arith.addf %add3A_28, %add3A_29 : vector<512x8192xf32>
      %sub3A_31 = arith.subf %add3A_30, %dot_general3A_27 : vector<512x8192xf32>
      %argmin3A_32 = tpu.reduce_index %sub3A_31 {axis = 1 : i32, kind = #tpu.reduction_kind<arg_min>} : vector<512x8192xf32> -> vector<512xi32>
      %swap3A_33 = arith.constant 0 : index
      %swap3A_34 = vector.load %arg8[%swap3A_33] : memref<512xi32, #tpu.memory_space<vmem>>, vector<512xi32>
      tpu.vector_store %arg8[%swap3A_33], %argmin3A_32 {strides = array<i32>} : memref<512xi32, #tpu.memory_space<vmem>>, vector<512xi32>,
    } else {
    }
    return
  }
  func.func @transform_0(%arg0: i32) -> (i32, i32) {
    %min3A = arith.constant 15 : i32
    %min3A_0 = arith.minsi %arg0, %min3A : i32
    %c0_i32 = arith.constant 0 : i32
    %c0_i32_1 = arith.constant 0 : i32
    return %min3A_0, %c0_i32 : i32, i32
  }
  func.func @transform_1(%arg0: i32) -> (i32, i32) {
    %c0_i32 = arith.constant 0 : i32
    %c0_i32_0 = arith.constant 0 : i32
    %c0_i32_1 = arith.constant 0 : i32
    return %c0_i32, %c0_i32_0 : i32, i32
  }
  func.func @transform_2(%arg0: i32) -> (i32, i32) {
    %c0_i32 = arith.constant 0 : i32
    %c0_i32_0 = arith.constant 0 : i32
    %c0_i32_1 = arith.constant 0 : i32
    return %c0_i32, %c0_i32_0 : i32, i32
  }
  func.func @transform_3(%arg0: i32) -> (i32, i32) {
    %sub3A = arith.constant 16 : i32
    %sub3A_0 = arith.subi %arg0, %sub3A : i32
    %max3A = arith.constant 0 : i32
    %max3A_1 = arith.maxsi %sub3A_0, %max3A : i32
    %c0_i32 = arith.constant 0 : i32
    %c0_i32_2 = arith.constant 0 : i32
    return %max3A_1, %c0_i32 : i32, i32
  }
  func.func @transform_4(%arg0: i32) -> (i32, i32) {
    %sub3A = arith.constant 16 : i32
    %sub3A_0 = arith.subi %arg0, %sub3A : i32
    %max3A = arith.constant 0 : i32
    %max3A_1 = arith.maxsi %sub3A_0, %max3A : i32
    %c0_i32 = arith.constant 0 : i32
    %c0_i32_2 = arith.constant 0 : i32
    return %max3A_1, %c0_i32 : i32, i32
  }
  func.func @transform_5(%arg0: i32) -> (i32, i32) {
    %min3A = arith.constant 15 : i32
    %min3A_0 = arith.minsi %arg0, %min3A : i32
    %c0_i32 = arith.constant 0 : i32
    %c0_i32_1 = arith.constant 0 : i32
    return %min3A_0, %c0_i32 : i32, i32
  }
  func.func @transform_6(%arg0: i32) -> i32 {
    %sub3A = arith.constant 16 : i32
    %sub3A_0 = arith.subi %arg0, %sub3A : i32
    %max3A = arith.constant 0 : i32
    %max3A_1 = arith.maxsi %sub3A_0, %max3A : i32
    %c0_i32 = arith.constant 0 : i32
    return %max3A_1 : i32
  }
  func.func @transform_7(%arg0: i32) -> i32 {
    %sub3A = arith.constant 16 : i32
    %sub3A_0 = arith.subi %arg0, %sub3A : i32
    %max3A = arith.constant 0 : i32
    %max3A_1 = arith.maxsi %sub3A_0, %max3A : i32
    %c0_i32 = arith.constant 0 : i32
    return %max3A_1 : i32
  }
}

</mosaic_0001>

<sc_bundles>
// kernel: kernel.5.cloned.1.call-start
scs
__scs_entry_jumppad:
0x0: {  	(pc) =	sbr.rel $0x88, $3  }
0x1: {  	(tag) =	ssettag $0x0;
	lr =	simm.s32 $0x1  }
0x2: {  	[smem:$0x3F9C] =	sst lr;
	_ =	strace $0xD0000000  }
0x3: {  	_ = 	snop  }
0x4: {  	_ = 	snop  }
0x5: {  	_ = 	snop  }
0x6: {  	_ = 	snop  }
0x7: {  	_ = 	snop  }
__scs_overlays_trampoline_lowered:
0x8: {  	[smem:$0x3FAB] =	sst s0  }
0x9: {  	[smem:$0x3FAC] =	sst s1  }
0xa: {  	[smem:$0x3FAD] =	sst s2  }
0xb: {  	[smem:$0x3FAE] =	sst s3  }
0xc: {  	[smem:$0x3FAF] =	sst s4  }
0xd: {  	[smem:$0x3FB0] =	sst s5  }
0xe: {  	[smem:$0x3FB1] =	sst s6  }
0xf: {  	[smem:$0x3FB2] =	sst s7  }
0x10: {  	[smem:$0x3FB3] =	sst s8  }
0x11: {  	[smem:$0x3FB4] =	sst s9;
	s0 =	simm.s32 @!p0 $0x0  }
0x12: {  	s1 =	sld [smem:$0x3F9A];
	s0 =	simm.s32 @p0 $0x1  }
0x13: {  	[smem:$0x3FB5] =	sst s0;
	s0 =	simm.s32 @!p1 $0x0  }
0x14: {  	s2 =	sld [smem:$0x3F99];
	s0 =	simm.s32 @p1 $0x1  }
0x15: {  	[smem:$0x3FB6] =	sst s0;
	s0 =	simm.s32 @!p2 $0x0  }
0x16: {  	s3 =	sld [smem:$0x3FDB];
	s0 =	simm.s32 @p2 $0x1  }
0x17: {  	s4 =	simm.s32 $0x1BF5;
	[smem:$0x3FB8] =	sst s0  }
0x18: {  	s0 =	sld [smem:$0x3F9B];
	_ =	swait.ge [sflag:s4], $0x0  }
0x19: {  	s7 =	sld [smem:$0x3F9C]  }
0x1a: {  	s8 =	sadd.s32 $0xFFFFE003, lr  }
0x1b: {  	s9 =	sadd.s32 $0xFFFFFEF7, lr;
	s5 =	simm.s32 $0xFFFFFFFF;
	p2 =	slt.u32 s8, $0xFFFFF086  }
0x1c: {  	p1 =	slt.u32 s9, $0xF7A;
	s5 =	simm.s32 @!p2 $0x0  }
0x1d: {  	s5 =	simm.s32 @p1 $0x1;
	p0 =	seq.s32 s7, s2  }
0x1e: {  	s7 =	smul.u32 @!p0 $0xF7A, s2;
	p2 =	seq.s32 @!p0 s5, $0x0  }
0x1f: {  	s9 =	smul.u32 $0xF7A, s1;
	s8 =	simm.s32 @!p0 $0x1BF5;
	p2 =	por !p2, p0  }
0x20: {  	[sflag:s8] =	ssyncset.s32 @!p0 $0xFFFFF086;
	s6 =	sadd.s32 @!p0 s3, s7;
	s7 =	simm.s32 @!p0 $0x108  }
0x21: {  	s3 =	sadd.s32 s3, s9;
	s6 =	sadd.s32 @!p0 $0x88, s6;
	s7 =	simm.s32 @p2 $0x1082  }
0x22: {  	[simem:s7], [sflag:s8] =	dma.local @!p0 [hbm:s6], $0xF7A  }
0x23: {  	s9 =	sor.u32 $0xD0000000, s2;
	s6 =	simm.s32 $0x108;
	_ =	swait.ge @!p0 [sflag:s8], $0x0  }
0x24: {  	s3 =	sadd.s32 $0x88, s3;
	s6 =	simm.s32 @!p1 $0x1082;
	[sflag:s4] =	ssyncset.s32 $0xFFFFF086  }
0x25: {  	[simem:s6], [sflag:s4] =	dma.local [hbm:s3], $0xF7A  }
0x26: {  	[smem:$0x3F9C] =	sst s1;
	(tag) =	ssettag s2;
	_ =	strace s9  }
0x27: {  	s1 =	sld [smem:$0x3FAC]  }
0x28: {  	s2 =	sld [smem:$0x3FAD]  }
0x29: {  	s4 =	sld [smem:$0x3FAF]  }
0x2a: {  	p0 =	seq.s32 s5, $0x0;
	s5 =	sld [smem:$0x3FB0]  }
0x2b: {  	s6 =	sld [smem:$0x3FB1]  }
0x2c: {  	s7 =	sld [smem:$0x3FB2]  }
0x2d: {  	s3 =	simm.s32 $0x108;
	s8 =	sld [smem:$0x3FB3]  }
0x2e: {  	s3 =	simm.s32 @!p0 $0x1082;
	s9 =	sld [smem:$0x3FB4]  }
0x2f: {  	lr =	sadd.s32 s0, s3;
	s0 =	sld [smem:$0x3FAB]  }
0x30: {  	s3 =	sld [smem:$0x3FAE]  }
0x31: {  	[smem:$0x3FB7] =	sst s10  }
0x32: {  	s10 =	sld [smem:$0x3FB5];
	_ =	sdelay $0x3  }
0x33: {  	p0 =	seq.s32 s10, $0x1;
	s10 =	sld [smem:$0x3FB7];
	_ =	sdelay $0x3  }
0x34: {  	[smem:$0x3FB7] =	sst s10  }
0x35: {  	s10 =	sld [smem:$0x3FB6];
	_ =	sdelay $0x3  }
0x36: {  	p1 =	seq.s32 s10, $0x1;
	s10 =	sld [smem:$0x3FB7];
	_ =	sdelay $0x3  }
0x37: {  	[smem:$0x3FB7] =	sst s10  }
0x38: {  	s10 =	sld [smem:$0x3FB8]  }
0x39: {  	_ = 	snop;
	(pc) =	sbr.ind lr, $3  }
0x3a: {  	_ = 	snop  }
0x3b: {  	_ = 	snop  }
0x3c: {  	p2 =	seq.s32 s10, $0x1;
	s10 =	sld [smem:$0x3FB7]  }
0x3d: {  	_ =	shalt  }
0x3e: {  	_ =	shalt  }
0x3f: {  	_ =	shalt  }
0x40: {  	_ =	shalt  }
0x41: {  	_ =	shalt  }
0x42: {  	_ =	shalt  }
0x43: {  	_ =	shalt  }
0x44: {  	_ =	shalt  }
0x45: {  	_ =	shalt  }
0x46: {  	_ =	shalt  }
0x47: {  	_ =	shalt  }
0x48: {  	_ =	shalt  }
0x49: {  	_ =	shalt  }
0x4a: {  	_ =	shalt  }
0x4b: {  	_ =	shalt  }
0x4c: {  	_ =	shalt  }
0x4d: {  	_ =	shalt  }
0x4e: {  	_ =	shalt  }
0x4f: {  	_ =	shalt  }
0x50: {  	_ =	shalt  }
0x51: {  	_ =	shalt  }
0x52: {  	_ =	shalt  }
0x53: {  	_ =	shalt  }
0x54: {  	_ =	shalt  }
0x55: {  	_ =	shalt  }
0x56: {  	_ =	shalt  }
0x57: {  	_ =	shalt  }
0x58: {  	_ =	shalt  }
0x59: {  	_ =	shalt  }
0x5a: {  	_ =	shalt  }
0x5b: {  	_ =	shalt  }
0x5c: {  	_ =	shalt  }
0x5d: {  	_ =	shalt  }
0x5e: {  	_ =	shalt  }
0x5f: {  	_ =	shalt  }
0x60: {  	_ =	shalt  }
0x61: {  	_ =	shalt  }
0x62: {  	_ =	shalt  }
0x63: {  	_ =	shalt  }
0x64: {  	_ =	shalt  }
0x65: {  	_ =	shalt  }
0x66: {  	_ =	shalt  }
0x67: {  	_ =	shalt  }
0x68: {  	_ =	shalt  }
0x69: {  	_ =	shalt  }
0x6a: {  	_ =	shalt  }
0x6b: {  	_ =	shalt  }
0x6c: {  	_ =	shalt  }
0x6d: {  	_ =	shalt  }
0x6e: {  	_ =	shalt  }
0x6f: {  	_ =	shalt  }
0x70: {  	_ =	shalt  }
0x71: {  	_ =	shalt  }
0x72: {  	_ =	shalt  }
0x73: {  	_ =	shalt  }
0x74: {  	_ =	shalt  }
0x75: {  	_ =	shalt  }
0x76: {  	_ =	shalt  }
0x77: {  	_ =	shalt  }
0x78: {  	_ =	shalt  }
0x79: {  	_ =	shalt  }
0x7a: {  	_ =	shalt  }
0x7b: {  	_ =	shalt  }
0x7c: {  	_ =	shalt  }
0x7d: {  	_ =	shalt  }
0x7e: {  	_ =	shalt  }
0x7f: {  	_ =	shalt  }
0x80: {  	_ =	shalt  }
0x81: {  	_ =	shalt  }
0x82: {  	_ =	shalt  }
0x83: {  	_ =	shalt  }
0x84: {  	_ =	shalt  }
0x85: {  	_ =	shalt  }
0x86: {  	_ =	shalt  }
0x87: {  	_ =	shalt  }
.Lfunc_end0:
.L_simem_size_0:
called_computation_lowered:
.L_overlay_start_0:
0x88: {  	s2 =	sld [smem:$0x3FD9]  }
0x89: {  	s3 =	sld [smem:$0x3FFE];
	_ =	sdelay $0x1  }
0x8a: {  	s1 =	srdreg.scid  }
0x8b: {  	s0 =	sand.u32 $0x1, s1  }
0x8c: {  	s14 =	sshll.u32 s0, $0xA;
	s2 =	sadd.s32 s3, s2  }
0x8d: {  	s2 =	sadd.s32 s2, s14  }
0x8e: {  	[smem:$0x3FC3] =	sst s2  }
0x8f: {  	_ = 	snop  }
0x90: {  	s2 =	sld [smem:$0x3FD0];
	_ =	sdelay $0x2  }
0x91: {  	s15 =	simm.s32 $0xA;
	s4 =	simm.s32 $0x10  }
0x92: {  	[smem:s4], [sflag:s15] =	dma.local [hbm:s2], $0x1  }
0x93: {  	_ =	swait.eq [sflag:s15], $0x1  }
0x94: {  	[sflag:s15] =	ssyncset.done $0x0  }
0x95: {  	s16 =	sld [smem:$0x10];
	[sflag:s15] =	ssyncadd.s32 $0xFFFFFFFF  }
0x96: {  	s17 =	sld [smem:$0x11];
	(tm) =	ssettm $0x1  }
0x97: {  	s18 =	sld [smem:$0x3FFB];
	_ =	sdelay $0x3  }
0x98: {  	_ =	strace s18  }
0x99: {  	s4 =	sld [smem:$0x3FFC];
	_ =	sdelay $0x3  }
0x9a: {  	_ =	strace s4  }
0x9b: {  	s4 =	sld [smem:$0x3FFD];
	_ =	sdelay $0x3  }
0x9c: {  	_ =	strace s4  }
0x9d: {  	_ =	strace $0x8FFFFFFF  }
0x9e: {  	s19 =	sld [smem:$0x3FDB];
	_ =	sdelay $0x1  }
0x9f: {  	s5 =	simm.s32 $_scs_section_size  }
0xa0: {  	s6 =	simm.s32 $_size__tile_overlayer_lowered;
	s7 =	simm.s32 $_tile_overlayer_lowered  }
0xa1: {  	s22 =	simm.s32 $0x1BFF;
	s21 =	sshll.u32 s7, $0x1;
	s4 =	sadd.s32 s5, s19  }
0xa2: {  	s8 =	simm.s32 $0x0;
	s20 =	sshll.u32 s6, $0x1;
	s6 =	sadd.s32 s21, s4  }
0xa3: {  	[timem:s8], [sflag:s22] =	dma.local [hbm:s6], s20  }
0xa4: {  	_ =	swait.ge [sflag:s22], s20  }
0xa5: {  	s5 =	ssub.s32 $0x0, s20;
	[sflag:s22] =	ssyncset.done $0x0  }
0xa6: {  	[sflag:s22] =	ssyncadd.s32 s5;
	_ =	sdelay $0x1  }
0xa7: {  	s23 =	simm.s32 $0x1B8B  }
0xa8: {  	_ =	swait.ge [sflag:s23], $0x1  }
0xa9: {  	[sflag:s23] =	ssyncset.done $0x0  }
0xaa: {  	s25 =	simm.s32 $0x1B8E;
	s24 =	sld [smem:$0x3FFE];
	[sflag:s23] =	ssyncadd.s32 $0xFFFFFFFF  }
0xab: {  	s26 =	simm.s32 $execute0_lowered;
	[smem:$0x3FD2] =	sst s25  }
0xac: {  	s6 =	sshll.u32 s26, $0x1;
	_ =	strace $0x80000046;
	[dreg:$0x1] =	wrdreg $0xFFFFFFFF  }
0xad: {  	s28 =	simm.s32 $_size_execute0_lowered;
	s4 =	sadd.s32 s4, s6;
	[dreg:$0x0] =	wrdreg $0x0  }
0xae: {  	s6 =	sshll.u32 s28, $0x1;
	[dreg:$0x2] =	wrdreg s4  }
0xaf: {  	[dreg:$0x3] =	wrdreg s6  }
0xb0: {  	[dreg:$0x4] =	wrdreg $0xC0  }
0xb1: {  	_ =	task [dreg:s8], $0x5FFFF  }
0xb2: {  	[dreg:$0x1] =	wrdreg $0xFFFFFFFF  }
0xb3: {  	[dreg:$0x0] =	wrdreg $0x60  }
0xb4: {  	[dreg:$0x2] =	wrdreg s24  }
0xb5: {  	[dreg:$0x3] =	wrdreg s16  }
0xb6: {  	[dreg:$0x4] =	wrdreg s17  }
0xb7: {  	[dreg:$0x5] =	wrdreg $0x9  }
0xb8: {  	_ =	task.clear_ibuf [dreg:s8], $0x6FFFF;
	_ =	strace $0x90000046  }
0xb9: {  	s29 =	simm.s32 $0x9;
	_ =	strace $0x80000048  }
0xba: {  	_ =	swait.ge [sflag:s29], $0x1  }
0xbb: {  	[sflag:s29] =	ssyncadd.s32 $0xFFFFFFFF  }
0xbc: {  	_ =	strace $0x90000048  }
0xbd: {  	_ =	sfence  }
0xbe: {  	s30 =	sld [smem:$0x0];
	_ =	sdelay $0x2  }
0xbf: {  	s31 =	sshll.u32 s1, $0xD;
	s1 =	sshrl.u32 s1, $0x2  }
0xc0: {  	s3 =	sand.u32 $0x4000, s31;
	s1 =	sadd.s32 s1, s30  }
0xc1: {  	s0 =	sor.u32 s3, s0;
	s1 =	sshll.u32 s1, $0x11  }
0xc2: {  	s0 =	sor.u32 s1, s0  }
0xc3: {  	s0 =	sadd.s32 $0x8F2B, s0  }
0xc4: {  	[sflag:s0] =	ssyncadd.remote.s32 $0x1  }
0xc5: {  	_ =	sfence.sel $0xFFFF  }
0xc6: {  	[dreg:$0x0] =	wrdreg $0xFFFFFFFF;
	(pc) =	sbr.abs _section_cstart, $3  }
0xc7: {  	[dreg:$0x1] =	wrdreg $0xFFFFFFFF  }
0xc8: {  	_ =	task.clear_ibuf [dreg:s8], $0x2FFFF;
	_ =	strace $0x9FFFFFFF  }
0xc9: {  	(tm) =	ssettm $0x7FFFFFFF  }
tec
execute0_lowered:
.L_overlay_start_1:
0x0: {  	(tag) =	ssettag $0x1  }
0x1: {  	s0 =	rddreg [dreg:$0x0]  }
0x2: {  	s1 =	rddreg [dreg:$0x1]  }
0x3: {  	s2 =	srdreg.scid;
	s5 =	stileid.u32  }
0x4: {  	s9 =	rddreg [dreg:$0x2];
	s12 =	simm.s32 $0x80;
	s13 =	simm.s32 $0x100  }
0x5: {  	s30 =	simm.s32 $0x8100;
	s16 =	simm.s32 $0xB100;
	s17 =	simm.s32 $0xB900  }
0x6: {  	s18 =	simm.s32 $0xC100;
	s19 =	simm.s32 $0xC900;
	s20 =	simm.s32 $0xD100  }
0x7: {  	s21 =	simm.s32 $0xD900;
	s22 =	simm.s32 $0xE100;
	s23 =	simm.s32 $0xE900  }
0x8: {  	s24 =	simm.s32 $0xF100;
	s25 =	simm.s32 $0xF900;
	s28 =	simm.s32 $0x12100  }
0x9: {  	s29 =	simm.s32 $0x400;
	s31 =	simm.s32 $0x1;
	s3 =	sand.u32 $0x1, s2  }
0xa: {  	s4 =	sshll.u32 s5, $0x1;
	s2 =	simm.s32 $0x0;
	s5 =	sshll.u32 s5, $0xB  }
0xb: {  	s6 =	sor.u32 s3, s4;
	[smem:$0x7FF] =	sst s2;
	s7 =	ssub.s32 $0x2, s3  }
0xc: {  	s3 =	sadd.s32 $0x2600, s0;
	s4 =	sshll.u32 s6, $0x4;
	_ =	strace $0x80000047  }
0xd: {  	s8 =	sshrl.u32 s7, $0x1;
	s26 =	sshll.u32 s6, $0xC;
	s5 =	sor.u32 s5, s4  }
0xe: {  	s10 =	sadd.s32 s4, s0;
	s11 =	ssub.s32 s7, s8;
	s8 =	sadd.s32 s1, s26  }
0xf: {  	s9 =	sadd.s32 s9, s26;
	s26 =	simm.s32 $0x10100;
	s5 =	sand.u32 $0x6070, s5  }
0x10: {  	v2 =	vlaneseq.u32;
	vm0 =	vmmov $0xffff;
	s1 =	simm.s32 $0x2;
	s4 =	sadd.s32 $0x42600, s10;
	s0 =	sadd.s32 s5, s0  }
0x11: {  	v3 =	vimm.f32 $0.0e+00;
	v4 =	vimm.f32 $1.000000000e+00;
	v1 =	vshrl.u32 v2, $0x3;
	s5 =	sadd.s32 $0x42800, s10;
	s10 =	smax.u32 s11, $0x1;
	s11 =	simm.s32 $0x3  }
0x12: {  	v0 =	vand.u32 $0x7, v2;
	v2 =	vor.u32 $0x8, v2;
	v1 =	vmul.u32 $0x8, v1;
	s6 =	sadd.s32 $0x42A00, s0;
	s7 =	sadd.s32 $0x4AA00, s0;
	s0 =	simm.s32 $0x0  }
.LBB2_1:
0x13: {  	[tilespmem:s2], [sflag:$0x3] =	stream.linear.gather [hbm4b:s4+s2], $0x80, $0x38;
	[tilespmem:$0x14100] =	vst v63  }
0x14: {  	_ =	swait.ge [sflag:s11], $0x80  }
0x15: {  	[sflag:s11] =	ssyncset.done $0x0  }
0x16: {  	[sflag:s11] =	ssyncadd.s32 $0xFFFFFF80  }
0x17: {  	[tilespmem:s12], [sflag:$0x3] =	stream.linear.gather [hbm4b:s5+s2], $0x80, $0x38;
	[tilespmem:$0x14100] =	vst v63  }
0x18: {  	_ =	swait.ge [sflag:s11], $0x80  }
0x19: {  	[sflag:s11] =	ssyncset.done $0x0  }
0x1a: {  	[sflag:s11] =	ssyncadd.s32 $0xFFFFFF80  }
0x1b: {  	v5 =	vld [tilespmem:$0x0];
	_ =	sdelay $0x4  }
0x1c: {  	v6 =	vshll.u32 v5, $0x1  }
0x1d: {  	v5 =	vand.u32 $0x7, v5;
	v6 =	vand.u32 $0xFFFFFFF0, v6  }
0x1e: {  	v5 =	vor.u32 v5, v6  }
0x1f: {  	v6 =	vperm.xlane v5, v0;
	_ =	sdelay $0x1  }
0x20: {  	v5 =	vperm.xlane v5, v2;
	v6 =	vadd.s32 v1, v6;
	_ =	sdelay $0x1  }
0x21: {  	v5 =	vadd.s32 v1, v5;
	_ =	sdelay $0x2  }
0x22: {  	[tilespmem:s13], [sflag:$0x1] =	stream.indirect_vreg.gather [hbm4b:s3+s2], $0x80, v6, vm0, $0xb8;
	[tilespmem:$0x14100] =	vst v63  }
0x23: {  	s14 =	simm.s32 $0x900  }
0x24: {  	[tilespmem:s14], [sflag:$0x1] =	stream.indirect_vreg.gather [hbm4b:s3+s2], $0x80, v5, vm0, $0xb8;
	[tilespmem:$0x14100] =	vst v63  }
0x25: {  	v5 =	vld [tilespmem:$0x10];
	_ =	sdelay $0x4  }
0x26: {  	v6 =	vshll.u32 v5, $0x1  }
0x27: {  	v5 =	vand.u32 $0x7, v5;
	v6 =	vand.u32 $0xFFFFFFF0, v6  }
0x28: {  	v5 =	vor.u32 v5, v6  }
0x29: {  	v6 =	vperm.xlane v5, v0;
	_ =	sdelay $0x1  }
0x2a: {  	v5 =	vperm.xlane v5, v2;
	v6 =	vadd.s32 v1, v6;
	_ =	sdelay $0x1  }
0x2b: {  	v5 =	vadd.s32 v1, v5;
	_ =	sdelay $0x1  }
0x2c: {  	s15 =	simm.s32 $0x1100  }
0x2d: {  	[tilespmem:s15], [sflag:$0x1] =	stream.indirect_vreg.gather [hbm4b:s3+s2], $0x80, v6, vm0, $0xb8;
	[tilespmem:$0x14100] =	vst v63  }
0x2e: {  	s15 =	simm.s32 $0x1900  }
0x2f: {  	[tilespmem:s15], [sflag:$0x1] =	stream.indirect_vreg.gather [hbm4b:s3+s2], $0x80, v5, vm0, $0xb8;
	[tilespmem:$0x14100] =	vst v63  }
0x30: {  	v5 =	vld [tilespmem:$0x20];
	_ =	sdelay $0x4  }
0x31: {  	v6 =	vshll.u32 v5, $0x1  }
0x32: {  	v5 =	vand.u32 $0x7, v5;
	v6 =	vand.u32 $0xFFFFFFF0, v6  }
0x33: {  	v5 =	vor.u32 v5, v6  }
0x34: {  	v6 =	vperm.xlane v5, v0;
	_ =	sdelay $0x1  }
0x35: {  	v5 =	vperm.xlane v5, v2;
	v6 =	vadd.s32 v1, v6;
	_ =	sdelay $0x1  }
0x36: {  	v5 =	vadd.s32 v1, v5;
	_ =	sdelay $0x1  }
0x37: {  	s15 =	simm.s32 $0x2100  }
0x38: {  	[tilespmem:s15], [sflag:$0x1] =	stream.indirect_vreg.gather [hbm4b:s3+s2], $0x80, v6, vm0, $0xb8;
	[tilespmem:$0x14100] =	vst v63  }
0x39: {  	s15 =	simm.s32 $0x2900  }
0x3a: {  	[tilespmem:s15], [sflag:$0x1] =	stream.indirect_vreg.gather [hbm4b:s3+s2], $0x80, v5, vm0, $0xb8;
	[tilespmem:$0x14100] =	vst v63  }
0x3b: {  	v5 =	vld [tilespmem:$0x30];
	_ =	sdelay $0x4  }
0x3c: {  	v6 =	vshll.u32 v5, $0x1  }
0x3d: {  	v5 =	vand.u32 $0x7, v5;
	v6 =	vand.u32 $0xFFFFFFF0, v6  }
0x3e: {  	v5 =	vor.u32 v5, v6  }
0x3f: {  	v6 =	vperm.xlane v5, v0;
	_ =	sdelay $0x1  }
0x40: {  	v5 =	vperm.xlane v5, v2;
	v6 =	vadd.s32 v1, v6;
	_ =	sdelay $0x1  }
0x41: {  	v5 =	vadd.s32 v1, v5;
	_ =	sdelay $0x1  }
0x42: {  	s15 =	simm.s32 $0x3100  }
0x43: {  	[tilespmem:s15], [sflag:$0x1] =	stream.indirect_vreg.gather [hbm4b:s3+s2], $0x80, v6, vm0, $0xb8;
	[tilespmem:$0x14100] =	vst v63  }
0x44: {  	s15 =	simm.s32 $0x3900  }
0x45: {  	[tilespmem:s15], [sflag:$0x1] =	stream.indirect_vreg.gather [hbm4b:s3+s2], $0x80, v5, vm0, $0xb8;
	[tilespmem:$0x14100] =	vst v63  }
0x46: {  	v5 =	vld [tilespmem:$0x40];
	_ =	sdelay $0x4  }
0x47: {  	v6 =	vshll.u32 v5, $0x1  }
0x48: {  	v5 =	vand.u32 $0x7, v5;
	v6 =	vand.u32 $0xFFFFFFF0, v6  }
0x49: {  	v5 =	vor.u32 v5, v6  }
0x4a: {  	v6 =	vperm.xlane v5, v0;
	_ =	sdelay $0x1  }
0x4b: {  	v5 =	vperm.xlane v5, v2;
	v6 =	vadd.s32 v1, v6;
	_ =	sdelay $0x1  }
0x4c: {  	v5 =	vadd.s32 v1, v5;
	_ =	sdelay $0x1  }
0x4d: {  	s15 =	simm.s32 $0x4100  }
0x4e: {  	[tilespmem:s15], [sflag:$0x1] =	stream.indirect_vreg.gather [hbm4b:s3+s2], $0x80, v6, vm0, $0xb8;
	[tilespmem:$0x14100] =	vst v63  }
0x4f: {  	s15 =	simm.s32 $0x4900  }
0x50: {  	[tilespmem:s15], [sflag:$0x1] =	stream.indirect_vreg.gather [hbm4b:s3+s2], $0x80, v5, vm0, $0xb8;
	[tilespmem:$0x14100] =	vst v63  }
0x51: {  	v5 =	vld [tilespmem:$0x50];
	_ =	sdelay $0x4  }
0x52: {  	v6 =	vshll.u32 v5, $0x1  }
0x53: {  	v5 =	vand.u32 $0x7, v5;
	v6 =	vand.u32 $0xFFFFFFF0, v6  }
0x54: {  	v5 =	vor.u32 v5, v6  }
0x55: {  	v6 =	vperm.xlane v5, v0;
	_ =	sdelay $0x1  }
0x56: {  	v5 =	vperm.xlane v5, v2;
	v6 =	vadd.s32 v1, v6;
	_ =	sdelay $0x1  }
0x57: {  	v5 =	vadd.s32 v1, v5;
	_ =	sdelay $0x1  }
0x58: {  	s15 =	simm.s32 $0x5100  }
0x59: {  	[tilespmem:s15], [sflag:$0x1] =	stream.indirect_vreg.gather [hbm4b:s3+s2], $0x80, v6, vm0, $0xb8;
	[tilespmem:$0x14100] =	vst v63  }
0x5a: {  	s15 =	simm.s32 $0x5900  }
0x5b: {  	[tilespmem:s15], [sflag:$0x1] =	stream.indirect_vreg.gather [hbm4b:s3+s2], $0x80, v5, vm0, $0xb8;
	[tilespmem:$0x14100] =	vst v63  }
0x5c: {  	v5 =	vld [tilespmem:$0x60];
	_ =	sdelay $0x4  }
0x5d: {  	v6 =	vshll.u32 v5, $0x1  }
0x5e: {  	v5 =	vand.u32 $0x7, v5;
	v6 =	vand.u32 $0xFFFFFFF0, v6  }
0x5f: {  	v5 =	vor.u32 v5, v6  }
0x60: {  	v6 =	vperm.xlane v5, v0;
	_ =	sdelay $0x1  }
0x61: {  	v5 =	vperm.xlane v5, v2;
	v6 =	vadd.s32 v1, v6;
	_ =	sdelay $0x1  }
0x62: {  	v5 =	vadd.s32 v1, v5;
	_ =	sdelay $0x1  }
0x63: {  	s15 =	simm.s32 $0x6100  }
0x64: {  	[tilespmem:s15], [sflag:$0x1] =	stream.indirect_vreg.gather [hbm4b:s3+s2], $0x80, v6, vm0, $0xb8;
	[tilespmem:$0x14100] =	vst v63  }
0x65: {  	s15 =	simm.s32 $0x6900  }
0x66: {  	[tilespmem:s15], [sflag:$0x1] =	stream.indirect_vreg.gather [hbm4b:s3+s2], $0x80, v5, vm0, $0xb8;
	[tilespmem:$0x14100] =	vst v63  }
0x67: {  	v5 =	vld [tilespmem:$0x70];
	_ =	sdelay $0x4  }
0x68: {  	v6 =	vshll.u32 v5, $0x1  }
0x69: {  	v5 =	vand.u32 $0x7, v5;
	v6 =	vand.u32 $0xFFFFFFF0, v6  }
0x6a: {  	v5 =	vor.u32 v5, v6  }
0x6b: {  	v6 =	vperm.xlane v5, v0;
	_ =	sdelay $0x1  }
0x6c: {  	v5 =	vperm.xlane v5, v2;
	v6 =	vadd.s32 v1, v6;
	_ =	sdelay $0x1  }
0x6d: {  	v5 =	vadd.s32 v1, v5;
	_ =	sdelay $0x1  }
0x6e: {  	s15 =	simm.s32 $0x7100  }
0x6f: {  	[tilespmem:s15], [sflag:$0x1] =	stream.indirect_vreg.gather [hbm4b:s3+s2], $0x80, v6, vm0, $0xb8;
	[tilespmem:$0x14100] =	vst v63  }
0x70: {  	s15 =	simm.s32 $0x7900  }
0x71: {  	[tilespmem:s15], [sflag:$0x1] =	stream.indirect_vreg.gather [hbm4b:s3+s2], $0x80, v5, vm0, $0xb8;
	[tilespmem:$0x14100] =	vst v63  }
0x72: {  	v5 =	vld [tilespmem:$0x80];
	_ =	sdelay $0x4  }
0x73: {  	v6 =	vshll.u32 v5, $0x1  }
0x74: {  	v5 =	vand.u32 $0x7, v5;
	v6 =	vand.u32 $0xFFFFFFF0, v6  }
0x75: {  	v5 =	vor.u32 v5, v6  }
0x76: {  	v6 =	vperm.xlane v5, v0;
	_ =	sdelay $0x1  }
0x77: {  	v5 =	vperm.xlane v5, v2;
	v6 =	vadd.s32 v1, v6;
	_ =	sdelay $0x1  }
0x78: {  	v5 =	vadd.s32 v1, v5;
	_ =	sdelay $0x2  }
0x79: {  	[tilespmem:s30], [sflag:$0x2] =	stream.indirect_vreg.gather [hbm4b:s3+s2], $0x80, v6, vm0, $0xb8;
	[tilespmem:$0x14100] =	vst v63  }
0x7a: {  	s15 =	simm.s32 $0x8900  }
0x7b: {  	[tilespmem:s15], [sflag:$0x2] =	stream.indirect_vreg.gather [hbm4b:s3+s2], $0x80, v5, vm0, $0xb8;
	[tilespmem:$0x14100] =	vst v63  }
0x7c: {  	v5 =	vld [tilespmem:$0x90];
	_ =	sdelay $0x4  }
0x7d: {  	v6 =	vshll.u32 v5, $0x1  }
0x7e: {  	v5 =	vand.u32 $0x7, v5;
	v6 =	vand.u32 $0xFFFFFFF0, v6  }
0x7f: {  	v5 =	vor.u32 v5, v6  }
0x80: {  	v6 =	vperm.xlane v5, v0;
	_ =	sdelay $0x1  }
0x81: {  	v5 =	vperm.xlane v5, v2;
	v6 =	vadd.s32 v1, v6;
	_ =	sdelay $0x1  }
0x82: {  	v5 =	vadd.s32 v1, v5;
	_ =	sdelay $0x1  }
0x83: {  	s15 =	simm.s32 $0x9100  }
0x84: {  	[tilespmem:s15], [sflag:$0x2] =	stream.indirect_vreg.gather [hbm4b:s3+s2], $0x80, v6, vm0, $0xb8;
	[tilespmem:$0x14100] =	vst v63  }
0x85: {  	s15 =	simm.s32 $0x9900  }
0x86: {  	[tilespmem:s15], [sflag:$0x2] =	stream.indirect_vreg.gather [hbm4b:s3+s2], $0x80, v5, vm0, $0xb8;
	[tilespmem:$0x14100] =	vst v63  }
0x87: {  	v5 =	vld [tilespmem:$0xA0];
	_ =	sdelay $0x4  }
0x88: {  	v6 =	vshll.u32 v5, $0x1  }
0x89: {  	v5 =	vand.u32 $0x7, v5;
	v6 =	vand.u32 $0xFFFFFFF0, v6  }
0x8a: {  	v5 =	vor.u32 v5, v6  }
0x8b: {  	v6 =	vperm.xlane v5, v0;
	_ =	sdelay $0x1  }
0x8c: {  	v5 =	vperm.xlane v5, v2;
	v6 =	vadd.s32 v1, v6;
	_ =	sdelay $0x1  }
0x8d: {  	v5 =	vadd.s32 v1, v5;
	_ =	sdelay $0x1  }
0x8e: {  	s15 =	simm.s32 $0xA100  }
0x8f: {  	[tilespmem:s15], [sflag:$0x2] =	stream.indirect_vreg.gather [hbm4b:s3+s2], $0x80, v6, vm0, $0xb8;
	[tilespmem:$0x14100] =	vst v63  }
0x90: {  	s15 =	simm.s32 $0xA900  }
0x91: {  	[tilespmem:s15], [sflag:$0x2] =	stream.indirect_vreg.gather [hbm4b:s3+s2], $0x80, v5, vm0, $0xb8;
	[tilespmem:$0x14100] =	vst v63  }
0x92: {  	v5 =	vld [tilespmem:$0xB0];
	_ =	sdelay $0x4  }
0x93: {  	v6 =	vshll.u32 v5, $0x1  }
0x94: {  	v5 =	vand.u32 $0x7, v5;
	v6 =	vand.u32 $0xFFFFFFF0, v6  }
0x95: {  	v5 =	vor.u32 v5, v6  }
0x96: {  	v6 =	vperm.xlane v5, v0;
	_ =	sdelay $0x1  }
0x97: {  	v5 =	vperm.xlane v5, v2;
	v6 =	vadd.s32 v1, v6;
	_ =	sdelay $0x1  }
0x98: {  	v5 =	vadd.s32 v1, v5;
	_ =	sdelay $0x2  }
0x99: {  	[tilespmem:s16], [sflag:$0x2] =	stream.indirect_vreg.gather [hbm4b:s3+s2], $0x80, v6, vm0, $0xb8;
	[tilespmem:$0x14100] =	vst v63  }
0x9a: {  	_ = 	snop  }
0x9b: {  	[tilespmem:s17], [sflag:$0x2] =	stream.indirect_vreg.gather [hbm4b:s3+s2], $0x80, v5, vm0, $0xb8;
	[tilespmem:$0x14100] =	vst v63  }
0x9c: {  	v5 =	vld [tilespmem:$0xC0];
	_ =	sdelay $0x4  }
0x9d: {  	v6 =	vshll.u32 v5, $0x1  }
0x9e: {  	v5 =	vand.u32 $0x7, v5;
	v6 =	vand.u32 $0xFFFFFFF0, v6  }
0x9f: {  	v5 =	vor.u32 v5, v6  }
0xa0: {  	v6 =	vperm.xlane v5, v0;
	_ =	sdelay $0x1  }
0xa1: {  	v5 =	vperm.xlane v5, v2;
	v6 =	vadd.s32 v1, v6;
	_ =	sdelay $0x1  }
0xa2: {  	v5 =	vadd.s32 v1, v5;
	_ =	sdelay $0x2  }
0xa3: {  	[tilespmem:s18], [sflag:$0x2] =	stream.indirect_vreg.gather [hbm4b:s3+s2], $0x80, v6, vm0, $0xb8;
	[tilespmem:$0x14100] =	vst v63  }
0xa4: {  	_ = 	snop  }
0xa5: {  	[tilespmem:s19], [sflag:$0x2] =	stream.indirect_vreg.gather [hbm4b:s3+s2], $0x80, v5, vm0, $0xb8;
	[tilespmem:$0x14100] =	vst v63  }
0xa6: {  	v5 =	vld [tilespmem:$0xD0];
	_ =	sdelay $0x4  }
0xa7: {  	v6 =	vshll.u32 v5, $0x1  }
0xa8: {  	v5 =	vand.u32 $0x7, v5;
	v6 =	vand.u32 $0xFFFFFFF0, v6  }
0xa9: {  	v5 =	vor.u32 v5, v6  }
0xaa: {  	v6 =	vperm.xlane v5, v0;
	_ =	sdelay $0x1  }
0xab: {  	v5 =	vperm.xlane v5, v2;
	v6 =	vadd.s32 v1, v6;
	_ =	sdelay $0x1  }
0xac: {  	v5 =	vadd.s32 v1, v5;
	_ =	sdelay $0x2  }
0xad: {  	[tilespmem:s20], [sflag:$0x2] =	stream.indirect_vreg.gather [hbm4b:s3+s2], $0x80, v6, vm0, $0xb8;
	[tilespmem:$0x14100] =	vst v63  }
0xae: {  	_ = 	snop  }
0xaf: {  	[tilespmem:s21], [sflag:$0x2] =	stream.indirect_vreg.gather [hbm4b:s3+s2], $0x80, v5, vm0, $0xb8;
	[tilespmem:$0x14100] =	vst v63  }
0xb0: {  	v5 =	vld [tilespmem:$0xE0];
	_ =	sdelay $0x4  }
0xb1: {  	v6 =	vshll.u32 v5, $0x1  }
0xb2: {  	v5 =	vand.u32 $0x7, v5;
	v6 =	vand.u32 $0xFFFFFFF0, v6  }
0xb3: {  	v5 =	vor.u32 v5, v6  }
0xb4: {  	v6 =	vperm.xlane v5, v0;
	_ =	sdelay $0x1  }
0xb5: {  	v5 =	vperm.xlane v5, v2;
	v6 =	vadd.s32 v1, v6;
	_ =	sdelay $0x1  }
0xb6: {  	v5 =	vadd.s32 v1, v5;
	_ =	sdelay $0x2  }
0xb7: {  	[tilespmem:s22], [sflag:$0x2] =	stream.indirect_vreg.gather [hbm4b:s3+s2], $0x80, v6, vm0, $0xb8;
	[tilespmem:$0x14100] =	vst v63  }
0xb8: {  	_ = 	snop  }
0xb9: {  	[tilespmem:s23], [sflag:$0x2] =	stream.indirect_vreg.gather [hbm4b:s3+s2], $0x80, v5, vm0, $0xb8;
	[tilespmem:$0x14100] =	vst v63  }
0xba: {  	v5 =	vld [tilespmem:$0xF0];
	_ =	sdelay $0x4  }
0xbb: {  	v6 =	vshll.u32 v5, $0x1  }
0xbc: {  	v5 =	vand.u32 $0x7, v5;
	v6 =	vand.u32 $0xFFFFFFF0, v6  }
0xbd: {  	v5 =	vor.u32 v5, v6  }
0xbe: {  	v6 =	vperm.xlane v5, v0;
	_ =	sdelay $0x1  }
0xbf: {  	v5 =	vperm.xlane v5, v2;
	v6 =	vadd.s32 v1, v6;
	_ =	sdelay $0x1  }
0xc0: {  	v5 =	vadd.s32 v1, v5;
	_ =	sdelay $0x2  }
0xc1: {  	[tilespmem:s24], [sflag:$0x2] =	stream.indirect_vreg.gather [hbm4b:s3+s2], $0x80, v6, vm0, $0xb8;
	[tilespmem:$0x14100] =	vst v63  }
0xc2: {  	s14 =	simm.s32 $0x0;
	s15 =	simm.s32 $0x200  }
0xc3: {  	[tilespmem:s25], [sflag:$0x2] =	stream.indirect_vreg.gather [hbm4b:s3+s2], $0x80, v5, vm0, $0xb8;
	[tilespmem:$0x14100] =	vst v63  }
.LBB2_2:
0xc4: {  	p0 =	sne.s32 s15, $0x7E00;
	[tilespmem:s14+$0x12170] =	vst v3  }
0xc5: {  	[tilespmem:s14+$0x10100] =	vst v3  }
0xc6: {  	[tilespmem:s14+$0x12100] =	vst v3  }
0xc7: {  	[tilespmem:s14+$0x10110] =	vst v3  }
0xc8: {  	[tilespmem:s14+$0x12110] =	vst v3  }
0xc9: {  	[tilespmem:s14+$0x10120] =	vst v3  }
0xca: {  	[tilespmem:s14+$0x12120] =	vst v3  }
0xcb: {  	[tilespmem:s14+$0x10130] =	vst v3  }
0xcc: {  	[tilespmem:s14+$0x12130] =	vst v3  }
0xcd: {  	[tilespmem:s14+$0x10140] =	vst v3  }
0xce: {  	[tilespmem:s14+$0x12140] =	vst v3  }
.Ltmp0:
0xcf: {  	[tilespmem:s14+$0x10150] =	vst v3;
	(pc) =	sbr.rel @p0 .LBB2_2-.Ltmp0, $4  }
0xd0: {  	[tilespmem:s14+$0x12150] =	vst v3  }
0xd1: {  	[tilespmem:s14+$0x10160] =	vst v3  }
0xd2: {  	[tilespmem:s14+$0x12160] =	vst v3  }
0xd3: {  	[tilespmem:s14+$0x10170] =	vst v3;
	s14 =	sshra.s32 s15, $0x2;
	s15 =	sadd.s32 $0x200, s15  }
0xd4: {  	[tilespmem:s14+$0x12170] =	vst v3  }
0xd5: {  	[tilespmem:s14+$0x10100] =	vst v3  }
0xd6: {  	[tilespmem:s14+$0x12100] =	vst v3  }
0xd7: {  	[tilespmem:s14+$0x10110] =	vst v3  }
0xd8: {  	[tilespmem:s14+$0x12110] =	vst v3  }
0xd9: {  	[tilespmem:s14+$0x10120] =	vst v3  }
0xda: {  	[tilespmem:s14+$0x12120] =	vst v3  }
0xdb: {  	[tilespmem:s14+$0x10130] =	vst v3  }
0xdc: {  	[tilespmem:s14+$0x12130] =	vst v3  }
0xdd: {  	[tilespmem:s14+$0x10140] =	vst v3  }
0xde: {  	[tilespmem:s14+$0x12140] =	vst v3  }
0xdf: {  	[tilespmem:s14+$0x10150] =	vst v3  }
0xe0: {  	[tilespmem:s14+$0x12150] =	vst v3  }
0xe1: {  	[tilespmem:s14+$0x10160] =	vst v3  }
0xe2: {  	[tilespmem:s14+$0x12160] =	vst v3  }
0xe3: {  	[tilespmem:s14+$0x10170] =	vst v3  }
0xe4: {  	v5 =	vld [tilespmem:$0x0];
	_ =	sdelay $0x7  }
0xe5: {  	[tilespmem:v5+s26+$0x0] =	vst.idx.add.f32.msk $0xffff, v4  }
0xe6: {  	v5 =	vld [tilespmem:$0x80];
	_ =	sdelay $0x7  }
0xe7: {  	[tilespmem:v5+s28+$0x0] =	vst.idx.add.f32.msk $0xffff, v4  }
0xe8: {  	v5 =	vld [tilespmem:$0x10];
	_ =	sdelay $0x7  }
0xe9: {  	[tilespmem:v5+s26+$0x0] =	vst.idx.add.f32.msk $0xffff, v4  }
0xea: {  	v5 =	vld [tilespmem:$0x90];
	_ =	sdelay $0x7  }
0xeb: {  	[tilespmem:v5+s28+$0x0] =	vst.idx.add.f32.msk $0xffff, v4  }
0xec: {  	v5 =	vld [tilespmem:$0x20];
	_ =	sdelay $0x7  }
0xed: {  	[tilespmem:v5+s26+$0x0] =	vst.idx.add.f32.msk $0xffff, v4  }
0xee: {  	v5 =	vld [tilespmem:$0xA0];
	_ =	sdelay $0x7  }
0xef: {  	[tilespmem:v5+s28+$0x0] =	vst.idx.add.f32.msk $0xffff, v4  }
0xf0: {  	v5 =	vld [tilespmem:$0x30];
	_ =	sdelay $0x7  }
0xf1: {  	[tilespmem:v5+s26+$0x0] =	vst.idx.add.f32.msk $0xffff, v4  }
0xf2: {  	v5 =	vld [tilespmem:$0xB0];
	_ =	sdelay $0x7  }
0xf3: {  	[tilespmem:v5+s28+$0x0] =	vst.idx.add.f32.msk $0xffff, v4  }
0xf4: {  	v5 =	vld [tilespmem:$0x40];
	_ =	sdelay $0x7  }
0xf5: {  	[tilespmem:v5+s26+$0x0] =	vst.idx.add.f32.msk $0xffff, v4  }
0xf6: {  	v5 =	vld [tilespmem:$0xC0];
	_ =	sdelay $0x7  }
0xf7: {  	[tilespmem:v5+s28+$0x0] =	vst.idx.add.f32.msk $0xffff, v4  }
0xf8: {  	v5 =	vld [tilespmem:$0x50];
	_ =	sdelay $0x7  }
0xf9: {  	[tilespmem:v5+s26+$0x0] =	vst.idx.add.f32.msk $0xffff, v4  }
0xfa: {  	v5 =	vld [tilespmem:$0xD0];
	_ =	sdelay $0x7  }
0xfb: {  	[tilespmem:v5+s28+$0x0] =	vst.idx.add.f32.msk $0xffff, v4  }
0xfc: {  	v5 =	vld [tilespmem:$0x60];
	_ =	sdelay $0x7  }
0xfd: {  	[tilespmem:v5+s26+$0x0] =	vst.idx.add.f32.msk $0xffff, v4  }
0xfe: {  	v5 =	vld [tilespmem:$0xE0];
	_ =	sdelay $0x7  }
0xff: {  	[tilespmem:v5+s28+$0x0] =	vst.idx.add.f32.msk $0xffff, v4  }
0x100: {  	v5 =	vld [tilespmem:$0x70];
	_ =	sdelay $0x7  }
0x101: {  	[tilespmem:v5+s26+$0x0] =	vst.idx.add.f32.msk $0xffff, v4  }
0x102: {  	v5 =	vld [tilespmem:$0xF0];
	_ =	sdelay $0x7  }
0x103: {  	[tilespmem:v5+s28+$0x0] =	vst.idx.add.f32.msk $0xffff, v4  }
0x104: {  	[hbm4b:s6+s12] =	stream.strided.scatter [tilespmem:s26], [sflag:$0x3], $0x2000, s29, s12, $0x38;
	[tilespmem:$0x14100] =	vst v63  }
0x105: {  	_ =	swait.ge [sflag:s11], $0x2000  }
0x106: {  	[sflag:s11] =	ssyncset.done $0x0  }
0x107: {  	[sflag:s11] =	ssyncadd.s32 $0xFFFFE000  }
0x108: {  	[hbm4b:s7+s12] =	stream.strided.scatter [tilespmem:s28], [sflag:$0x3], $0x2000, s29, s12, $0x38;
	[tilespmem:$0x14100] =	vst v63  }
0x109: {  	_ =	swait.ge [sflag:s11], $0x2000  }
0x10a: {  	[sflag:s11] =	ssyncset.done $0x0  }
0x10b: {  	[sflag:s11] =	ssyncadd.s32 $0xFFFFE000  }
0x10c: {  	_ =	swait.ge [sflag:s31], $0x8000  }
0x10d: {  	[sflag:s31] =	ssyncset.done $0x0  }
0x10e: {  	[sflag:s31] =	ssyncadd.s32 $0xFFFF8000  }
0x10f: {  	[hbm4b:s8+s2] =	stream.linear.scatter [tilespmem:s13], [sflag:$0x3], $0x8000, $0x38;
	[tilespmem:$0x14100] =	vst v63  }
0x110: {  	_ =	swait.ge [sflag:s11], $0x8000  }
0x111: {  	[sflag:s11] =	ssyncset.done $0x0  }
0x112: {  	[sflag:s11] =	ssyncadd.s32 $0xFFFF8000  }
0x113: {  	s0 =	sadd.s32 $0x1, s0;
	_ =	swait.ge [sflag:s1], $0x8000  }
0x114: {  	p0 =	sne.s32 s0, s10;
	[sflag:s1] =	ssyncset.done $0x0  }
.Ltmp1:
0x115: {  	[sflag:s1] =	ssyncadd.s32 $0xFFFF8000;
	(pc) =	sbr.rel @p0 .LBB2_1-.Ltmp1, $4  }
0x116: {  	[hbm4b:s9+s2] =	stream.linear.scatter [tilespmem:s30], [sflag:$0x3], $0x8000, $0x38;
	[tilespmem:$0x14100] =	vst v63  }
0x117: {  	_ =	swait.ge [sflag:s11], $0x8000  }
0x118: {  	[sflag:s11] =	ssyncset.done $0x0  }
0x119: {  	[sflag:s11] =	ssyncadd.s32 $0xFFFF8000  }
0x11a: {  	_ =	sfence.sel $0x180000  }
0x11b: {  	[bflag:$0x0] =	sbarrier.arrive $0xFFFF  }
0x11c: {  	_ =	strace $0x90000047  }
0x11d: {  	s0 =	stileid.u32;
	[bflag:$0x2] =	sbarrier.arrive $0xFFFF  }
0x11e: {  	p0 =	sne.s32 s0, $0x0;
	s0 =	rddreg [dreg:$0x3]  }
0x11f: {  	s0 =	sadd.s32 @!p0 $0x100000, s0  }
0x120: {  	[sflag:s0] =	ssyncadd.tile.s32 @!p0 $0x1;
	_ =	shalt  }
.Lfunc_end2:
_tile_overlayer_lowered:
.L_overlay_start_2:
0x121: {  	(tag) =	ssettag $0x2  }
0x122: {  	s0 =	rddreg [dreg:$0x0];
	s2 =	stileid.u32  }
0x123: {  	s1 =	rddreg [dreg:$0x1];
	p0 =	sne.s32 s2, $0x0  }
0x124: {  	s3 =	rddreg [dreg:$0x2];
	[bflag:$0x3] =	sbarrier.arrive $0xFFFF;
	s2 =	simm.s32 @!p0 $0x1C03  }
0x125: {  	[timem:s3], [sflag:s2] =	dma.local @!p0 [hbm:s0], s1  }
0x126: {  	s0 =	simm.s32 @!p0 $0x3  }
0x127: {  	_ =	swait.ge @!p0 [sflag:s0], s1  }
0x128: {  	s1 =	ssub.s32 @!p0 $0x0, s1;
	[sflag:s0] =	ssyncset.done @!p0 $0x0  }
0x129: {  	[sflag:s0] =	ssyncadd.s32 @!p0 s1  }
0x12a: {  	[bflag:$0x3] =	sbarrier.arrive $0xFFFF  }
0x12b: {  	_ =	shalt  }

</sc_bundles>
